<compile_context>
chip_gen: v7x
topology: tpu7x:2x2x1
jax: 0.10.2.dev20260603
libtpu: 0.0.44.dev20260713+nightly
codegen_flags: <defaults>
</compile_context>

<pallas_src>
import functools

import jax
import jax.numpy as jnp
from jax import lax
from jax.experimental import pallas as pl
from jax.experimental.pallas import tpu as pltpu
from jax.experimental.pallas import tpu_sc as plsc

BATCH = 16384
NUM_ROWS = 100000
BLK = 128
NBLOCKS = 784
FLAT_WORDS = NBLOCKS * 2 * BLK
NUM_CORES = 2
NUM_SUBCORES = 16
NUM_WORKERS = NUM_CORES * NUM_SUBCORES
PER_WORKER = BATCH // NUM_WORKERS
CHUNK = 128
K = PER_WORKER // CHUNK
L = 16


def _gather_kernel(idx_hbm, flat_hbm, out_hbm, idx_v, off0_v, off1_v,
                   c0_v, c1_v, spmem, sem, ssem, osem):
    c = lax.axis_index("c")
    s = lax.axis_index("s")
    wid = s * NUM_CORES + c
    seg = FLAT_WORDS // NUM_SUBCORES
    stage = pltpu.async_copy(
        flat_hbm.at[pl.ds(s * seg, seg)], spmem.at[pl.ds(s * seg, seg)], ssem)
    pltpu.sync_copy(idx_hbm.at[wid], idx_v)
    for i in range(PER_WORKER // L):
        r = idx_v[pl.ds(i * L, L)]
        off = (jnp.left_shift(jnp.right_shift(r, 7), 8)
               + jnp.bitwise_and(r, BLK - 1))
        off0_v[pl.ds(i * L, L)] = off
        off1_v[pl.ds(i * L, L)] = off + BLK
    stage.wait()
    plsc.subcore_barrier()
    g0 = pltpu.async_copy(spmem.at[off0_v], c0_v, sem)
    g1 = pltpu.async_copy(spmem.at[off1_v], c1_v, osem)
    outs = []
    g0.wait()
    for j in range(K):
        sl = pl.ds(j * CHUNK, CHUNK)
        outs.append(
            pltpu.async_copy(c0_v.at[sl], out_hbm.at[wid * K + j, 0], sem))
    g1.wait()
    for j in range(K):
        sl = pl.ds(j * CHUNK, CHUNK)
        outs.append(
            pltpu.async_copy(c1_v.at[sl], out_hbm.at[wid * K + j, 1], osem))
    for o in outs:
        o.wait()


@jax.jit
def _lookup(participant, param_tensor):
    idx2d = participant.reshape(NUM_WORKERS, PER_WORKER)
    padded = jnp.pad(param_tensor, ((0, NBLOCKS * BLK - NUM_ROWS), (0, 0)))
    flat = padded.reshape(NBLOCKS, BLK, 2).transpose(0, 2, 1).reshape(-1)
    mesh = plsc.VectorSubcoreMesh(core_axis_name="c", subcore_axis_name="s")
    run = functools.partial(
        pl.kernel,
        mesh=mesh,
        out_type=jax.ShapeDtypeStruct((BATCH // BLK, 2, BLK), jnp.float32),
        scratch_types=[
            pltpu.VMEM((PER_WORKER,), jnp.int32),
            pltpu.VMEM((PER_WORKER,), jnp.int32),
            pltpu.VMEM((PER_WORKER,), jnp.int32),
            pltpu.VMEM((PER_WORKER,), jnp.float32),
            pltpu.VMEM((PER_WORKER,), jnp.float32),
            pltpu.VMEM_SHARED((FLAT_WORDS,), jnp.float32),
            pltpu.SemaphoreType.DMA,
            pltpu.SemaphoreType.DMA,
            pltpu.SemaphoreType.DMA,
        ],
        compiler_params=pltpu.CompilerParams(use_tc_tiling_on_sc=False),
    )(_gather_kernel)
    out3 = run(idx2d, flat)
    return out3.transpose(0, 2, 1).reshape(BATCH, 2)


def kernel(participant, param_tensor):
    return _lookup(participant, param_tensor)

# --- scband reference (transcript-rebuilt; emitter-appended) ---
"""Pipeline reference for scband-noise-ceiling-7670811590762 (READ-ONLY COPY).

The authoritative reference and input builder live on the scoring server;
editing this copy changes nothing except your own understanding.
"""

import jax, jax.numpy as jnp
import numpy as np

NUM_QUESTIONS = 100000
NUM_OPTIONS = 2
BATCH = 16384

def setup_inputs(seed: int = 0) -> dict:
    key = jax.random.key(seed)
    k_idx, k_param = jax.random.split(key)
    participant = jax.random.randint(k_idx, (BATCH,), 0, NUM_QUESTIONS, dtype=jnp.int64 if jax.config.read('jax_enable_x64') else jnp.int32)
    param_tensor = jax.random.normal(k_param, (NUM_QUESTIONS, NUM_OPTIONS), dtype=jnp.float32)
    return {"participant": participant, "param_tensor": param_tensor}

def reference(participant, param_tensor):
    # Faithful translation of NoiseCeiling.forward: params = self.param_tensor[data[self.UID]]
    params = jnp.take(param_tensor, participant, axis=0)
    return params

if __name__ == "__main__":
    import jax
    _d = setup_inputs()
    print(jax.jit(kernel)(*tuple(_d.values())))

</pallas_src>

<mosaic_0001>
#map = affine_map<(d0, d1) -> (0, 0)>
#map1 = affine_map<(d0, d1) -> (0)>
#map2 = affine_map<(d0, d1) -> (0, 0, 0)>
module attributes {stable_mosaic.version = 14 : i64} {
  func.func @_gather_kernel(%arg0: i32, %arg1: i32, %arg2: memref<32x512xi32, #tpu.memory_space<hbm>>, %arg3: memref<200704xf32, #tpu.memory_space<hbm>>, %arg4: memref<128x2x128xf32, #tpu.memory_space<hbm>>, %arg5: memref<512xi32, #tpu.memory_space<vmem>>, %arg6: memref<512xi32, #tpu.memory_space<vmem>>, %arg7: memref<512xi32, #tpu.memory_space<vmem>>, %arg8: memref<512xf32, #tpu.memory_space<vmem>>, %arg9: memref<512xf32, #tpu.memory_space<vmem>>, %arg10: memref<200704xf32, #tpu.memory_space<vmem_shared>>, %arg11: memref<!tpu.dma_semaphore, #tpu.memory_space<semaphore_mem>>, %arg12: memref<!tpu.dma_semaphore, #tpu.memory_space<semaphore_mem>>, %arg13: memref<!tpu.dma_semaphore, #tpu.memory_space<semaphore_mem>>) attributes {dimension_semantics = [#tpu.dimension_semantics<core_parallel>, #tpu.dimension_semantics<subcore_parallel>], iteration_bounds = array<i64: 2, 16>, scalar_prefetch = 0 : i64, scratch_operands = 9 : i64, tpu.core_type = #tpu.core_type<sc_vector_subcore>, window_params = [{transform_indices = #map}, {transform_indices = #map1}, {transform_indices = #map2}]} {
    %mul3A = arith.constant 2 : i32
    %mul3A_0 = arith.muli %arg1, %mul3A : i32
    %add3A = arith.addi %mul3A_0, %arg0 : i32
    %mul3A_1 = arith.constant 12544 : i32
    %mul3A_2 = arith.muli %arg1, %mul3A_1 : i32
    %mul3A_3 = arith.constant 12544 : i32
    %mul3A_4 = arith.muli %arg1, %mul3A_3 : i32
    %dma_start3A = tpu.memref_slice %arg10[%mul3A_4] : memref<200704xf32, #tpu.memory_space<vmem_shared>> -> memref<12544xf32, #tpu.memory_space<vmem_shared>>
    %dma_start3A_5 = tpu.memref_slice %arg3[%mul3A_2] : memref<200704xf32, #tpu.memory_space<hbm>> -> memref<12544xf32, #tpu.memory_space<hbm>>
    tpu.enqueue_dma source(%dma_start3A_5 : memref<12544xf32, #tpu.memory_space<hbm>>) target(%dma_start3A : memref<12544xf32, #tpu.memory_space<vmem_shared>>) target_semaphore(%arg12 : memref<!tpu.dma_semaphore, #tpu.memory_space<semaphore_mem>>)
    "tpu.region"() ({
      %run_scoped3A = tpu.sem_alloc : memref<!tpu.dma_semaphore, #tpu.memory_space<semaphore_mem>>
      %dma_start3A_986 = arith.constant 0 : i32
      %dma_start3A_987 = tpu.memref_slice %arg2[%add3A, %dma_start3A_986] : memref<32x512xi32, #tpu.memory_space<hbm>> -> memref<1x512xi32, #tpu.memory_space<hbm>>
      %dma_start3A_988 = tpu.memref_squeeze %dma_start3A_987 : memref<1x512xi32, #tpu.memory_space<hbm>> -> memref<512xi32, #tpu.memory_space<hbm>>
      %dma_start3A_989 = arith.constant 0 : i32
      %dma_start3A_990 = tpu.memref_slice %arg2[%add3A, %dma_start3A_989] : memref<32x512xi32, #tpu.memory_space<hbm>> -> memref<1x512xi32, #tpu.memory_space<hbm>>
      %dma_start3A_991 = tpu.memref_squeeze %dma_start3A_990 : memref<1x512xi32, #tpu.memory_space<hbm>> -> memref<512xi32, #tpu.memory_space<hbm>>
      tpu.enqueue_dma source(%dma_start3A_991 : memref<512xi32, #tpu.memory_space<hbm>>) target(%arg5 : memref<512xi32, #tpu.memory_space<vmem>>) target_semaphore(%run_scoped3A : memref<!tpu.dma_semaphore, #tpu.memory_space<semaphore_mem>>)
      %dma_wait3A_992 = arith.constant 0 : i32
      %dma_wait3A_993 = tpu.memref_slice %arg2[%add3A, %dma_wait3A_992] : memref<32x512xi32, #tpu.memory_space<hbm>> -> memref<1x512xi32, #tpu.memory_space<hbm>>
      %dma_wait3A_994 = tpu.memref_squeeze %dma_wait3A_993 : memref<1x512xi32, #tpu.memory_space<hbm>> -> memref<512xi32, #tpu.memory_space<hbm>>
      %dma_wait3A_995 = arith.constant 0 : i32
      %dma_wait3A_996 = tpu.memref_slice %arg2[%add3A, %dma_wait3A_995] : memref<32x512xi32, #tpu.memory_space<hbm>> -> memref<1x512xi32, #tpu.memory_space<hbm>>
      %dma_wait3A_997 = tpu.memref_squeeze %dma_wait3A_996 : memref<1x512xi32, #tpu.memory_space<hbm>> -> memref<512xi32, #tpu.memory_space<hbm>>
      tpu.wait_dma2 semaphore(%run_scoped3A : memref<!tpu.dma_semaphore, #tpu.memory_space<semaphore_mem>>) src(%dma_wait3A_997 : memref<512xi32, #tpu.memory_space<hbm>>) dst(%arg5 : memref<512xi32, #tpu.memory_space<vmem>>)
      tpu.yield
    }) : () -> ()
    %get3A = arith.constant 0 : index
    %get3A_6 = tpu.vector_load %arg5[%get3A] {strides = array<i32>} : memref<512xi32, #tpu.memory_space<vmem>>, vector<16xi32>,
    %get3A_7 = vector.shape_cast %get3A_6 : vector<16xi32> to vector<16xi32>
    %shift_right_arithmetic3A = arith.constant 7 : i32
    %shift_right_arithmetic3A_8 = vector.broadcast %shift_right_arithmetic3A : i32 to vector<16xi32>
    %shift_right_arithmetic3A_9 = arith.shrsi %get3A_7, %shift_right_arithmetic3A_8 : vector<16xi32>
    %shift_left3A = arith.constant 8 : i32
    %shift_left3A_10 = vector.broadcast %shift_left3A : i32 to vector<16xi32>
    %shift_left3A_11 = arith.shli %shift_right_arithmetic3A_9, %shift_left3A_10 : vector<16xi32>
    %and3A = arith.constant 127 : i32
    %and3A_12 = vector.broadcast %and3A : i32 to vector<16xi32>
    %and3A_13 = arith.andi %get3A_7, %and3A_12 : vector<16xi32>
    %add3A_14 = arith.addi %shift_left3A_11, %and3A_13 : vector<16xi32>
    %swap3A = arith.constant 0 : index
    %swap3A_15 = tpu.vector_load %arg6[%swap3A] {strides = array<i32>} : memref<512xi32, #tpu.memory_space<vmem>>, vector<16xi32>,
    %swap3A_16 = vector.shape_cast %swap3A_15 : vector<16xi32> to vector<16xi32>
    %swap3A_17 = vector.shape_cast %add3A_14 : vector<16xi32> to vector<16xi32>
    tpu.vector_store %arg6[%swap3A], %swap3A_17 {strides = array<i32>} : memref<512xi32, #tpu.memory_space<vmem>>, vector<16xi32>,
    %add3A_18 = arith.constant 128 : i32
    %add3A_19 = vector.broadcast %add3A_18 : i32 to vector<16xi32>
    %add3A_20 = arith.addi %add3A_14, %add3A_19 : vector<16xi32>
    %swap3A_21 = arith.constant 0 : index
    %swap3A_22 = tpu.vector_load %arg7[%swap3A_21] {strides = array<i32>} : memref<512xi32, #tpu.memory_space<vmem>>, vector<16xi32>,
    %swap3A_23 = vector.shape_cast %swap3A_22 : vector<16xi32> to vector<16xi32>
    %swap3A_24 = vector.shape_cast %add3A_20 : vector<16xi32> to vector<16xi32>
    tpu.vector_store %arg7[%swap3A_21], %swap3A_24 {strides = array<i32>} : memref<512xi32, #tpu.memory_space<vmem>>, vector<16xi32>,
    %get3A_25 = arith.constant 16 : index
    %get3A_26 = tpu.vector_load %arg5[%get3A_25] {strides = array<i32>} : memref<512xi32, #tpu.memory_space<vmem>>, vector<16xi32>,
    %get3A_27 = vector.shape_cast %get3A_26 : vector<16xi32> to vector<16xi32>
    %shift_right_arithmetic3A_28 = arith.constant 7 : i32
    %shift_right_arithmetic3A_29 = vector.broadcast %shift_right_arithmetic3A_28 : i32 to vector<16xi32>
    %shift_right_arithmetic3A_30 = arith.shrsi %get3A_27, %shift_right_arithmetic3A_29 : vector<16xi32>
    %shift_left3A_31 = arith.constant 8 : i32
    %shift_left3A_32 = vector.broadcast %shift_left3A_31 : i32 to vector<16xi32>
    %shift_left3A_33 = arith.shli %shift_right_arithmetic3A_30, %shift_left3A_32 : vector<16xi32>
    %and3A_34 = arith.constant 127 : i32
    %and3A_35 = vector.broadcast %and3A_34 : i32 to vector<16xi32>
    %and3A_36 = arith.andi %get3A_27, %and3A_35 : vector<16xi32>
    %add3A_37 = arith.addi %shift_left3A_33, %and3A_36 : vector<16xi32>
    %swap3A_38 = arith.constant 16 : index
    %swap3A_39 = tpu.vector_load %arg6[%swap3A_38] {strides = array<i32>} : memref<512xi32, #tpu.memory_space<vmem>>, vector<16xi32>,
    %swap3A_40 = vector.shape_cast %swap3A_39 : vector<16xi32> to vector<16xi32>
    %swap3A_41 = vector.shape_cast %add3A_37 : vector<16xi32> to vector<16xi32>
    tpu.vector_store %arg6[%swap3A_38], %swap3A_41 {strides = array<i32>} : memref<512xi32, #tpu.memory_space<vmem>>, vector<16xi32>,
    %add3A_42 = arith.constant 128 : i32
    %add3A_43 = vector.broadcast %add3A_42 : i32 to vector<16xi32>
    %add3A_44 = arith.addi %add3A_37, %add3A_43 : vector<16xi32>
    %swap3A_45 = arith.constant 16 : index
    %swap3A_46 = tpu.vector_load %arg7[%swap3A_45] {strides = array<i32>} : memref<512xi32, #tpu.memory_space<vmem>>, vector<16xi32>,
    %swap3A_47 = vector.shape_cast %swap3A_46 : vector<16xi32> to vector<16xi32>
    %swap3A_48 = vector.shape_cast %add3A_44 : vector<16xi32> to vector<16xi32>
    tpu.vector_store %arg7[%swap3A_45], %swap3A_48 {strides = array<i32>} : memref<512xi32, #tpu.memory_space<vmem>>, vector<16xi32>,
    %get3A_49 = arith.constant 32 : index
    %get3A_50 = tpu.vector_load %arg5[%get3A_49] {strides = array<i32>} : memref<512xi32, #tpu.memory_space<vmem>>, vector<16xi32>,
    %get3A_51 = vector.shape_cast %get3A_50 : vector<16xi32> to vector<16xi32>
    %shift_right_arithmetic3A_52 = arith.constant 7 : i32
    %shift_right_arithmetic3A_53 = vector.broadcast %shift_right_arithmetic3A_52 : i32 to vector<16xi32>
    %shift_right_arithmetic3A_54 = arith.shrsi %get3A_51, %shift_right_arithmetic3A_53 : vector<16xi32>
    %shift_left3A_55 = arith.constant 8 : i32
    %shift_left3A_56 = vector.broadcast %shift_left3A_55 : i32 to vector<16xi32>
    %shift_left3A_57 = arith.shli %shift_right_arithmetic3A_54, %shift_left3A_56 : vector<16xi32>
    %and3A_58 = arith.constant 127 : i32
    %and3A_59 = vector.broadcast %and3A_58 : i32 to vector<16xi32>
    %and3A_60 = arith.andi %get3A_51, %and3A_59 : vector<16xi32>
    %add3A_61 = arith.addi %shift_left3A_57, %and3A_60 : vector<16xi32>
    %swap3A_62 = arith.constant 32 : index
    %swap3A_63 = tpu.vector_load %arg6[%swap3A_62] {strides = array<i32>} : memref<512xi32, #tpu.memory_space<vmem>>, vector<16xi32>,
    %swap3A_64 = vector.shape_cast %swap3A_63 : vector<16xi32> to vector<16xi32>
    %swap3A_65 = vector.shape_cast %add3A_61 : vector<16xi32> to vector<16xi32>
    tpu.vector_store %arg6[%swap3A_62], %swap3A_65 {strides = array<i32>} : memref<512xi32, #tpu.memory_space<vmem>>, vector<16xi32>,
    %add3A_66 = arith.constant 128 : i32
    %add3A_67 = vector.broadcast %add3A_66 : i32 to vector<16xi32>
    %add3A_68 = arith.addi %add3A_61, %add3A_67 : vector<16xi32>
    %swap3A_69 = arith.constant 32 : index
    %swap3A_70 = tpu.vector_load %arg7[%swap3A_69] {strides = array<i32>} : memref<512xi32, #tpu.memory_space<vmem>>, vector<16xi32>,
    %swap3A_71 = vector.shape_cast %swap3A_70 : vector<16xi32> to vector<16xi32>
    %swap3A_72 = vector.shape_cast %add3A_68 : vector<16xi32> to vector<16xi32>
    tpu.vector_store %arg7[%swap3A_69], %swap3A_72 {strides = array<i32>} : memref<512xi32, #tpu.memory_space<vmem>>, vector<16xi32>,
    %get3A_73 = arith.constant 48 : index
    %get3A_74 = tpu.vector_load %arg5[%get3A_73] {strides = array<i32>} : memref<512xi32, #tpu.memory_space<vmem>>, vector<16xi32>,
    %get3A_75 = vector.shape_cast %get3A_74 : vector<16xi32> to vector<16xi32>
    %shift_right_arithmetic3A_76 = arith.constant 7 : i32
    %shift_right_arithmetic3A_77 = vector.broadcast %shift_right_arithmetic3A_76 : i32 to vector<16xi32>
    %shift_right_arithmetic3A_78 = arith.shrsi %get3A_75, %shift_right_arithmetic3A_77 : vector<16xi32>
    %shift_left3A_79 = arith.constant 8 : i32
    %shift_left3A_80 = vector.broadcast %shift_left3A_79 : i32 to vector<16xi32>
    %shift_left3A_81 = arith.shli %shift_right_arithmetic3A_78, %shift_left3A_80 : vector<16xi32>
    %and3A_82 = arith.constant 127 : i32
    %and3A_83 = vector.broadcast %and3A_82 : i32 to vector<16xi32>
    %and3A_84 = arith.andi %get3A_75, %and3A_83 : vector<16xi32>
    %add3A_85 = arith.addi %shift_left3A_81, %and3A_84 : vector<16xi32>
    %swap3A_86 = arith.constant 48 : index
    %swap3A_87 = tpu.vector_load %arg6[%swap3A_86] {strides = array<i32>} : memref<512xi32, #tpu.memory_space<vmem>>, vector<16xi32>,
    %swap3A_88 = vector.shape_cast %swap3A_87 : vector<16xi32> to vector<16xi32>
    %swap3A_89 = vector.shape_cast %add3A_85 : vector<16xi32> to vector<16xi32>
    tpu.vector_store %arg6[%swap3A_86], %swap3A_89 {strides = array<i32>} : memref<512xi32, #tpu.memory_space<vmem>>, vector<16xi32>,
    %add3A_90 = arith.constant 128 : i32
    %add3A_91 = vector.broadcast %add3A_90 : i32 to vector<16xi32>
    %add3A_92 = arith.addi %add3A_85, %add3A_91 : vector<16xi32>
    %swap3A_93 = arith.constant 48 : index
    %swap3A_94 = tpu.vector_load %arg7[%swap3A_93] {strides = array<i32>} : memref<512xi32, #tpu.memory_space<vmem>>, vector<16xi32>,
    %swap3A_95 = vector.shape_cast %swap3A_94 : vector<16xi32> to vector<16xi32>
    %swap3A_96 = vector.shape_cast %add3A_92 : vector<16xi32> to vector<16xi32>
    tpu.vector_store %arg7[%swap3A_93], %swap3A_96 {strides = array<i32>} : memref<512xi32, #tpu.memory_space<vmem>>, vector<16xi32>,
    %get3A_97 = arith.constant 64 : index
    %get3A_98 = tpu.vector_load %arg5[%get3A_97] {strides = array<i32>} : memref<512xi32, #tpu.memory_space<vmem>>, vector<16xi32>,
    %get3A_99 = vector.shape_cast %get3A_98 : vector<16xi32> to vector<16xi32>
    %shift_right_arithmetic3A_100 = arith.constant 7 : i32
    %shift_right_arithmetic3A_101 = vector.broadcast %shift_right_arithmetic3A_100 : i32 to vector<16xi32>
    %shift_right_arithmetic3A_102 = arith.shrsi %get3A_99, %shift_right_arithmetic3A_101 : vector<16xi32>
    %shift_left3A_103 = arith.constant 8 : i32
    %shift_left3A_104 = vector.broadcast %shift_left3A_103 : i32 to vector<16xi32>
    %shift_left3A_105 = arith.shli %shift_right_arithmetic3A_102, %shift_left3A_104 : vector<16xi32>
    %and3A_106 = arith.constant 127 : i32
    %and3A_107 = vector.broadcast %and3A_106 : i32 to vector<16xi32>
    %and3A_108 = arith.andi %get3A_99, %and3A_107 : vector<16xi32>
    %add3A_109 = arith.addi %shift_left3A_105, %and3A_108 : vector<16xi32>
    %swap3A_110 = arith.constant 64 : index
    %swap3A_111 = tpu.vector_load %arg6[%swap3A_110] {strides = array<i32>} : memref<512xi32, #tpu.memory_space<vmem>>, vector<16xi32>,
    %swap3A_112 = vector.shape_cast %swap3A_111 : vector<16xi32> to vector<16xi32>
    %swap3A_113 = vector.shape_cast %add3A_109 : vector<16xi32> to vector<16xi32>
    tpu.vector_store %arg6[%swap3A_110], %swap3A_113 {strides = array<i32>} : memref<512xi32, #tpu.memory_space<vmem>>, vector<16xi32>,
    %add3A_114 = arith.constant 128 : i32
    %add3A_115 = vector.broadcast %add3A_114 : i32 to vector<16xi32>
    %add3A_116 = arith.addi %add3A_109, %add3A_115 : vector<16xi32>
    %swap3A_117 = arith.constant 64 : index
    %swap3A_118 = tpu.vector_load %arg7[%swap3A_117] {strides = array<i32>} : memref<512xi32, #tpu.memory_space<vmem>>, vector<16xi32>,
    %swap3A_119 = vector.shape_cast %swap3A_118 : vector<16xi32> to vector<16xi32>
    %swap3A_120 = vector.shape_cast %add3A_116 : vector<16xi32> to vector<16xi32>
    tpu.vector_store %arg7[%swap3A_117], %swap3A_120 {strides = array<i32>} : memref<512xi32, #tpu.memory_space<vmem>>, vector<16xi32>,
    %get3A_121 = arith.constant 80 : index
    %get3A_122 = tpu.vector_load %arg5[%get3A_121] {strides = array<i32>} : memref<512xi32, #tpu.memory_space<vmem>>, vector<16xi32>,
    %get3A_123 = vector.shape_cast %get3A_122 : vector<16xi32> to vector<16xi32>
    %shift_right_arithmetic3A_124 = arith.constant 7 : i32
    %shift_right_arithmetic3A_125 = vector.broadcast %shift_right_arithmetic3A_124 : i32 to vector<16xi32>
    %shift_right_arithmetic3A_126 = arith.shrsi %get3A_123, %shift_right_arithmetic3A_125 : vector<16xi32>
    %shift_left3A_127 = arith.constant 8 : i32
    %shift_left3A_128 = vector.broadcast %shift_left3A_127 : i32 to vector<16xi32>
    %shift_left3A_129 = arith.shli %shift_right_arithmetic3A_126, %shift_left3A_128 : vector<16xi32>
    %and3A_130 = arith.constant 127 : i32
    %and3A_131 = vector.broadcast %and3A_130 : i32 to vector<16xi32>
    %and3A_132 = arith.andi %get3A_123, %and3A_131 : vector<16xi32>
    %add3A_133 = arith.addi %shift_left3A_129, %and3A_132 : vector<16xi32>
    %swap3A_134 = arith.constant 80 : index
    %swap3A_135 = tpu.vector_load %arg6[%swap3A_134] {strides = array<i32>} : memref<512xi32, #tpu.memory_space<vmem>>, vector<16xi32>,
    %swap3A_136 = vector.shape_cast %swap3A_135 : vector<16xi32> to vector<16xi32>
    %swap3A_137 = vector.shape_cast %add3A_133 : vector<16xi32> to vector<16xi32>
    tpu.vector_store %arg6[%swap3A_134], %swap3A_137 {strides = array<i32>} : memref<512xi32, #tpu.memory_space<vmem>>, vector<16xi32>,
    %add3A_138 = arith.constant 128 : i32
    %add3A_139 = vector.broadcast %add3A_138 : i32 to vector<16xi32>
    %add3A_140 = arith.addi %add3A_133, %add3A_139 : vector<16xi32>
    %swap3A_141 = arith.constant 80 : index
    %swap3A_142 = tpu.vector_load %arg7[%swap3A_141] {strides = array<i32>} : memref<512xi32, #tpu.memory_space<vmem>>, vector<16xi32>,
    %swap3A_143 = vector.shape_cast %swap3A_142 : vector<16xi32> to vector<16xi32>
    %swap3A_144 = vector.shape_cast %add3A_140 : vector<16xi32> to vector<16xi32>
    tpu.vector_store %arg7[%swap3A_141], %swap3A_144 {strides = array<i32>} : memref<512xi32, #tpu.memory_space<vmem>>, vector<16xi32>,
    %get3A_145 = arith.constant 96 : index
    %get3A_146 = tpu.vector_load %arg5[%get3A_145] {strides = array<i32>} : memref<512xi32, #tpu.memory_space<vmem>>, vector<16xi32>,
    %get3A_147 = vector.shape_cast %get3A_146 : vector<16xi32> to vector<16xi32>
    %shift_right_arithmetic3A_148 = arith.constant 7 : i32
    %shift_right_arithmetic3A_149 = vector.broadcast %shift_right_arithmetic3A_148 : i32 to vector<16xi32>
    %shift_right_arithmetic3A_150 = arith.shrsi %get3A_147, %shift_right_arithmetic3A_149 : vector<16xi32>
    %shift_left3A_151 = arith.constant 8 : i32
    %shift_left3A_152 = vector.broadcast %shift_left3A_151 : i32 to vector<16xi32>
    %shift_left3A_153 = arith.shli %shift_right_arithmetic3A_150, %shift_left3A_152 : vector<16xi32>
    %and3A_154 = arith.constant 127 : i32
    %and3A_155 = vector.broadcast %and3A_154 : i32 to vector<16xi32>
    %and3A_156 = arith.andi %get3A_147, %and3A_155 : vector<16xi32>
    %add3A_157 = arith.addi %shift_left3A_153, %and3A_156 : vector<16xi32>
    %swap3A_158 = arith.constant 96 : index
    %swap3A_159 = tpu.vector_load %arg6[%swap3A_158] {strides = array<i32>} : memref<512xi32, #tpu.memory_space<vmem>>, vector<16xi32>,
    %swap3A_160 = vector.shape_cast %swap3A_159 : vector<16xi32> to vector<16xi32>
    %swap3A_161 = vector.shape_cast %add3A_157 : vector<16xi32> to vector<16xi32>
    tpu.vector_store %arg6[%swap3A_158], %swap3A_161 {strides = array<i32>} : memref<512xi32, #tpu.memory_space<vmem>>, vector<16xi32>,
    %add3A_162 = arith.constant 128 : i32
    %add3A_163 = vector.broadcast %add3A_162 : i32 to vector<16xi32>
    %add3A_164 = arith.addi %add3A_157, %add3A_163 : vector<16xi32>
    %swap3A_165 = arith.constant 96 : index
    %swap3A_166 = tpu.vector_load %arg7[%swap3A_165] {strides = array<i32>} : memref<512xi32, #tpu.memory_space<vmem>>, vector<16xi32>,
    %swap3A_167 = vector.shape_cast %swap3A_166 : vector<16xi32> to vector<16xi32>
    %swap3A_168 = vector.shape_cast %add3A_164 : vector<16xi32> to vector<16xi32>
    tpu.vector_store %arg7[%swap3A_165], %swap3A_168 {strides = array<i32>} : memref<512xi32, #tpu.memory_space<vmem>>, vector<16xi32>,
    %get3A_169 = arith.constant 112 : index
    %get3A_170 = tpu.vector_load %arg5[%get3A_169] {strides = array<i32>} : memref<512xi32, #tpu.memory_space<vmem>>, vector<16xi32>,
    %get3A_171 = vector.shape_cast %get3A_170 : vector<16xi32> to vector<16xi32>
    %shift_right_arithmetic3A_172 = arith.constant 7 : i32
    %shift_right_arithmetic3A_173 = vector.broadcast %shift_right_arithmetic3A_172 : i32 to vector<16xi32>
    %shift_right_arithmetic3A_174 = arith.shrsi %get3A_171, %shift_right_arithmetic3A_173 : vector<16xi32>
    %shift_left3A_175 = arith.constant 8 : i32
    %shift_left3A_176 = vector.broadcast %shift_left3A_175 : i32 to vector<16xi32>
    %shift_left3A_177 = arith.shli %shift_right_arithmetic3A_174, %shift_left3A_176 : vector<16xi32>
    %and3A_178 = arith.constant 127 : i32
    %and3A_179 = vector.broadcast %and3A_178 : i32 to vector<16xi32>
    %and3A_180 = arith.andi %get3A_171, %and3A_179 : vector<16xi32>
    %add3A_181 = arith.addi %shift_left3A_177, %and3A_180 : vector<16xi32>
    %swap3A_182 = arith.constant 112 : index
    %swap3A_183 = tpu.vector_load %arg6[%swap3A_182] {strides = array<i32>} : memref<512xi32, #tpu.memory_space<vmem>>, vector<16xi32>,
    %swap3A_184 = vector.shape_cast %swap3A_183 : vector<16xi32> to vector<16xi32>
    %swap3A_185 = vector.shape_cast %add3A_181 : vector<16xi32> to vector<16xi32>
    tpu.vector_store %arg6[%swap3A_182], %swap3A_185 {strides = array<i32>} : memref<512xi32, #tpu.memory_space<vmem>>, vector<16xi32>,
    %add3A_186 = arith.constant 128 : i32
    %add3A_187 = vector.broadcast %add3A_186 : i32 to vector<16xi32>
    %add3A_188 = arith.addi %add3A_181, %add3A_187 : vector<16xi32>
    %swap3A_189 = arith.constant 112 : index
    %swap3A_190 = tpu.vector_load %arg7[%swap3A_189] {strides = array<i32>} : memref<512xi32, #tpu.memory_space<vmem>>, vector<16xi32>,
    %swap3A_191 = vector.shape_cast %swap3A_190 : vector<16xi32> to vector<16xi32>
    %swap3A_192 = vector.shape_cast %add3A_188 : vector<16xi32> to vector<16xi32>
    tpu.vector_store %arg7[%swap3A_189], %swap3A_192 {strides = array<i32>} : memref<512xi32, #tpu.memory_space<vmem>>, vector<16xi32>,
    %get3A_193 = arith.constant 128 : index
    %get3A_194 = tpu.vector_load %arg5[%get3A_193] {strides = array<i32>} : memref<512xi32, #tpu.memory_space<vmem>>, vector<16xi32>,
    %get3A_195 = vector.shape_cast %get3A_194 : vector<16xi32> to vector<16xi32>
    %shift_right_arithmetic3A_196 = arith.constant 7 : i32
    %shift_right_arithmetic3A_197 = vector.broadcast %shift_right_arithmetic3A_196 : i32 to vector<16xi32>
    %shift_right_arithmetic3A_198 = arith.shrsi %get3A_195, %shift_right_arithmetic3A_197 : vector<16xi32>
    %shift_left3A_199 = arith.constant 8 : i32
    %shift_left3A_200 = vector.broadcast %shift_left3A_199 : i32 to vector<16xi32>
    %shift_left3A_201 = arith.shli %shift_right_arithmetic3A_198, %shift_left3A_200 : vector<16xi32>
    %and3A_202 = arith.constant 127 : i32
    %and3A_203 = vector.broadcast %and3A_202 : i32 to vector<16xi32>
    %and3A_204 = arith.andi %get3A_195, %and3A_203 : vector<16xi32>
    %add3A_205 = arith.addi %shift_left3A_201, %and3A_204 : vector<16xi32>
    %swap3A_206 = arith.constant 128 : index
    %swap3A_207 = tpu.vector_load %arg6[%swap3A_206] {strides = array<i32>} : memref<512xi32, #tpu.memory_space<vmem>>, vector<16xi32>,
    %swap3A_208 = vector.shape_cast %swap3A_207 : vector<16xi32> to vector<16xi32>
    %swap3A_209 = vector.shape_cast %add3A_205 : vector<16xi32> to vector<16xi32>
    tpu.vector_store %arg6[%swap3A_206], %swap3A_209 {strides = array<i32>} : memref<512xi32, #tpu.memory_space<vmem>>, vector<16xi32>,
    %add3A_210 = arith.constant 128 : i32
    %add3A_211 = vector.broadcast %add3A_210 : i32 to vector<16xi32>
    %add3A_212 = arith.addi %add3A_205, %add3A_211 : vector<16xi32>
    %swap3A_213 = arith.constant 128 : index
    %swap3A_214 = tpu.vector_load %arg7[%swap3A_213] {strides = array<i32>} : memref<512xi32, #tpu.memory_space<vmem>>, vector<16xi32>,
    %swap3A_215 = vector.shape_cast %swap3A_214 : vector<16xi32> to vector<16xi32>
    %swap3A_216 = vector.shape_cast %add3A_212 : vector<16xi32> to vector<16xi32>
    tpu.vector_store %arg7[%swap3A_213], %swap3A_216 {strides = array<i32>} : memref<512xi32, #tpu.memory_space<vmem>>, vector<16xi32>,
    %get3A_217 = arith.constant 144 : index
    %get3A_218 = tpu.vector_load %arg5[%get3A_217] {strides = array<i32>} : memref<512xi32, #tpu.memory_space<vmem>>, vector<16xi32>,
    %get3A_219 = vector.shape_cast %get3A_218 : vector<16xi32> to vector<16xi32>
    %shift_right_arithmetic3A_220 = arith.constant 7 : i32
    %shift_right_arithmetic3A_221 = vector.broadcast %shift_right_arithmetic3A_220 : i32 to vector<16xi32>
    %shift_right_arithmetic3A_222 = arith.shrsi %get3A_219, %shift_right_arithmetic3A_221 : vector<16xi32>
    %shift_left3A_223 = arith.constant 8 : i32
    %shift_left3A_224 = vector.broadcast %shift_left3A_223 : i32 to vector<16xi32>
    %shift_left3A_225 = arith.shli %shift_right_arithmetic3A_222, %shift_left3A_224 : vector<16xi32>
    %and3A_226 = arith.constant 127 : i32
    %and3A_227 = vector.broadcast %and3A_226 : i32 to vector<16xi32>
    %and3A_228 = arith.andi %get3A_219, %and3A_227 : vector<16xi32>
    %add3A_229 = arith.addi %shift_left3A_225, %and3A_228 : vector<16xi32>
    %swap3A_230 = arith.constant 144 : index
    %swap3A_231 = tpu.vector_load %arg6[%swap3A_230] {strides = array<i32>} : memref<512xi32, #tpu.memory_space<vmem>>, vector<16xi32>,
    %swap3A_232 = vector.shape_cast %swap3A_231 : vector<16xi32> to vector<16xi32>
    %swap3A_233 = vector.shape_cast %add3A_229 : vector<16xi32> to vector<16xi32>
    tpu.vector_store %arg6[%swap3A_230], %swap3A_233 {strides = array<i32>} : memref<512xi32, #tpu.memory_space<vmem>>, vector<16xi32>,
    %add3A_234 = arith.constant 128 : i32
    %add3A_235 = vector.broadcast %add3A_234 : i32 to vector<16xi32>
    %add3A_236 = arith.addi %add3A_229, %add3A_235 : vector<16xi32>
    %swap3A_237 = arith.constant 144 : index
    %swap3A_238 = tpu.vector_load %arg7[%swap3A_237] {strides = array<i32>} : memref<512xi32, #tpu.memory_space<vmem>>, vector<16xi32>,
    %swap3A_239 = vector.shape_cast %swap3A_238 : vector<16xi32> to vector<16xi32>
    %swap3A_240 = vector.shape_cast %add3A_236 : vector<16xi32> to vector<16xi32>
    tpu.vector_store %arg7[%swap3A_237], %swap3A_240 {strides = array<i32>} : memref<512xi32, #tpu.memory_space<vmem>>, vector<16xi32>,
    %get3A_241 = arith.constant 160 : index
    %get3A_242 = tpu.vector_load %arg5[%get3A_241] {strides = array<i32>} : memref<512xi32, #tpu.memory_space<vmem>>, vector<16xi32>,
    %get3A_243 = vector.shape_cast %get3A_242 : vector<16xi32> to vector<16xi32>
    %shift_right_arithmetic3A_244 = arith.constant 7 : i32
    %shift_right_arithmetic3A_245 = vector.broadcast %shift_right_arithmetic3A_244 : i32 to vector<16xi32>
    %shift_right_arithmetic3A_246 = arith.shrsi %get3A_243, %shift_right_arithmetic3A_245 : vector<16xi32>
    %shift_left3A_247 = arith.constant 8 : i32
    %shift_left3A_248 = vector.broadcast %shift_left3A_247 : i32 to vector<16xi32>
    %shift_left3A_249 = arith.shli %shift_right_arithmetic3A_246, %shift_left3A_248 : vector<16xi32>
    %and3A_250 = arith.constant 127 : i32
    %and3A_251 = vector.broadcast %and3A_250 : i32 to vector<16xi32>
    %and3A_252 = arith.andi %get3A_243, %and3A_251 : vector<16xi32>
    %add3A_253 = arith.addi %shift_left3A_249, %and3A_252 : vector<16xi32>
    %swap3A_254 = arith.constant 160 : index
    %swap3A_255 = tpu.vector_load %arg6[%swap3A_254] {strides = array<i32>} : memref<512xi32, #tpu.memory_space<vmem>>, vector<16xi32>,
    %swap3A_256 = vector.shape_cast %swap3A_255 : vector<16xi32> to vector<16xi32>
    %swap3A_257 = vector.shape_cast %add3A_253 : vector<16xi32> to vector<16xi32>
    tpu.vector_store %arg6[%swap3A_254], %swap3A_257 {strides = array<i32>} : memref<512xi32, #tpu.memory_space<vmem>>, vector<16xi32>,
    %add3A_258 = arith.constant 128 : i32
    %add3A_259 = vector.broadcast %add3A_258 : i32 to vector<16xi32>
    %add3A_260 = arith.addi %add3A_253, %add3A_259 : vector<16xi32>
    %swap3A_261 = arith.constant 160 : index
    %swap3A_262 = tpu.vector_load %arg7[%swap3A_261] {strides = array<i32>} : memref<512xi32, #tpu.memory_space<vmem>>, vector<16xi32>,
    %swap3A_263 = vector.shape_cast %swap3A_262 : vector<16xi32> to vector<16xi32>
    %swap3A_264 = vector.shape_cast %add3A_260 : vector<16xi32> to vector<16xi32>
    tpu.vector_store %arg7[%swap3A_261], %swap3A_264 {strides = array<i32>} : memref<512xi32, #tpu.memory_space<vmem>>, vector<16xi32>,
    %get3A_265 = arith.constant 176 : index
    %get3A_266 = tpu.vector_load %arg5[%get3A_265] {strides = array<i32>} : memref<512xi32, #tpu.memory_space<vmem>>, vector<16xi32>,
    %get3A_267 = vector.shape_cast %get3A_266 : vector<16xi32> to vector<16xi32>
    %shift_right_arithmetic3A_268 = arith.constant 7 : i32
    %shift_right_arithmetic3A_269 = vector.broadcast %shift_right_arithmetic3A_268 : i32 to vector<16xi32>
    %shift_right_arithmetic3A_270 = arith.shrsi %get3A_267, %shift_right_arithmetic3A_269 : vector<16xi32>
    %shift_left3A_271 = arith.constant 8 : i32
    %shift_left3A_272 = vector.broadcast %shift_left3A_271 : i32 to vector<16xi32>
    %shift_left3A_273 = arith.shli %shift_right_arithmetic3A_270, %shift_left3A_272 : vector<16xi32>
    %and3A_274 = arith.constant 127 : i32
    %and3A_275 = vector.broadcast %and3A_274 : i32 to vector<16xi32>
    %and3A_276 = arith.andi %get3A_267, %and3A_275 : vector<16xi32>
    %add3A_277 = arith.addi %shift_left3A_273, %and3A_276 : vector<16xi32>
    %swap3A_278 = arith.constant 176 : index
    %swap3A_279 = tpu.vector_load %arg6[%swap3A_278] {strides = array<i32>} : memref<512xi32, #tpu.memory_space<vmem>>, vector<16xi32>,
    %swap3A_280 = vector.shape_cast %swap3A_279 : vector<16xi32> to vector<16xi32>
    %swap3A_281 = vector.shape_cast %add3A_277 : vector<16xi32> to vector<16xi32>
    tpu.vector_store %arg6[%swap3A_278], %swap3A_281 {strides = array<i32>} : memref<512xi32, #tpu.memory_space<vmem>>, vector<16xi32>,
    %add3A_282 = arith.constant 128 : i32
    %add3A_283 = vector.broadcast %add3A_282 : i32 to vector<16xi32>
    %add3A_284 = arith.addi %add3A_277, %add3A_283 : vector<16xi32>
    %swap3A_285 = arith.constant 176 : index
    %swap3A_286 = tpu.vector_load %arg7[%swap3A_285] {strides = array<i32>} : memref<512xi32, #tpu.memory_space<vmem>>, vector<16xi32>,
    %swap3A_287 = vector.shape_cast %swap3A_286 : vector<16xi32> to vector<16xi32>
    %swap3A_288 = vector.shape_cast %add3A_284 : vector<16xi32> to vector<16xi32>
    tpu.vector_store %arg7[%swap3A_285], %swap3A_288 {strides = array<i32>} : memref<512xi32, #tpu.memory_space<vmem>>, vector<16xi32>,
    %get3A_289 = arith.constant 192 : index
    %get3A_290 = tpu.vector_load %arg5[%get3A_289] {strides = array<i32>} : memref<512xi32, #tpu.memory_space<vmem>>, vector<16xi32>,
    %get3A_291 = vector.shape_cast %get3A_290 : vector<16xi32> to vector<16xi32>
    %shift_right_arithmetic3A_292 = arith.constant 7 : i32
    %shift_right_arithmetic3A_293 = vector.broadcast %shift_right_arithmetic3A_292 : i32 to vector<16xi32>
    %shift_right_arithmetic3A_294 = arith.shrsi %get3A_291, %shift_right_arithmetic3A_293 : vector<16xi32>
    %shift_left3A_295 = arith.constant 8 : i32
    %shift_left3A_296 = vector.broadcast %shift_left3A_295 : i32 to vector<16xi32>
    %shift_left3A_297 = arith.shli %shift_right_arithmetic3A_294, %shift_left3A_296 : vector<16xi32>
    %and3A_298 = arith.constant 127 : i32
    %and3A_299 = vector.broadcast %and3A_298 : i32 to vector<16xi32>
    %and3A_300 = arith.andi %get3A_291, %and3A_299 : vector<16xi32>
    %add3A_301 = arith.addi %shift_left3A_297, %and3A_300 : vector<16xi32>
    %swap3A_302 = arith.constant 192 : index
    %swap3A_303 = tpu.vector_load %arg6[%swap3A_302] {strides = array<i32>} : memref<512xi32, #tpu.memory_space<vmem>>, vector<16xi32>,
    %swap3A_304 = vector.shape_cast %swap3A_303 : vector<16xi32> to vector<16xi32>
    %swap3A_305 = vector.shape_cast %add3A_301 : vector<16xi32> to vector<16xi32>
    tpu.vector_store %arg6[%swap3A_302], %swap3A_305 {strides = array<i32>} : memref<512xi32, #tpu.memory_space<vmem>>, vector<16xi32>,
    %add3A_306 = arith.constant 128 : i32
    %add3A_307 = vector.broadcast %add3A_306 : i32 to vector<16xi32>
    %add3A_308 = arith.addi %add3A_301, %add3A_307 : vector<16xi32>
    %swap3A_309 = arith.constant 192 : index
    %swap3A_310 = tpu.vector_load %arg7[%swap3A_309] {strides = array<i32>} : memref<512xi32, #tpu.memory_space<vmem>>, vector<16xi32>,
    %swap3A_311 = vector.shape_cast %swap3A_310 : vector<16xi32> to vector<16xi32>
    %swap3A_312 = vector.shape_cast %add3A_308 : vector<16xi32> to vector<16xi32>
    tpu.vector_store %arg7[%swap3A_309], %swap3A_312 {strides = array<i32>} : memref<512xi32, #tpu.memory_space<vmem>>, vector<16xi32>,
    %get3A_313 = arith.constant 208 : index
    %get3A_314 = tpu.vector_load %arg5[%get3A_313] {strides = array<i32>} : memref<512xi32, #tpu.memory_space<vmem>>, vector<16xi32>,
    %get3A_315 = vector.shape_cast %get3A_314 : vector<16xi32> to vector<16xi32>
    %shift_right_arithmetic3A_316 = arith.constant 7 : i32
    %shift_right_arithmetic3A_317 = vector.broadcast %shift_right_arithmetic3A_316 : i32 to vector<16xi32>
    %shift_right_arithmetic3A_318 = arith.shrsi %get3A_315, %shift_right_arithmetic3A_317 : vector<16xi32>
    %shift_left3A_319 = arith.constant 8 : i32
    %shift_left3A_320 = vector.broadcast %shift_left3A_319 : i32 to vector<16xi32>
    %shift_left3A_321 = arith.shli %shift_right_arithmetic3A_318, %shift_left3A_320 : vector<16xi32>
    %and3A_322 = arith.constant 127 : i32
    %and3A_323 = vector.broadcast %and3A_322 : i32 to vector<16xi32>
    %and3A_324 = arith.andi %get3A_315, %and3A_323 : vector<16xi32>
    %add3A_325 = arith.addi %shift_left3A_321, %and3A_324 : vector<16xi32>
    %swap3A_326 = arith.constant 208 : index
    %swap3A_327 = tpu.vector_load %arg6[%swap3A_326] {strides = array<i32>} : memref<512xi32, #tpu.memory_space<vmem>>, vector<16xi32>,
    %swap3A_328 = vector.shape_cast %swap3A_327 : vector<16xi32> to vector<16xi32>
    %swap3A_329 = vector.shape_cast %add3A_325 : vector<16xi32> to vector<16xi32>
    tpu.vector_store %arg6[%swap3A_326], %swap3A_329 {strides = array<i32>} : memref<512xi32, #tpu.memory_space<vmem>>, vector<16xi32>,
    %add3A_330 = arith.constant 128 : i32
    %add3A_331 = vector.broadcast %add3A_330 : i32 to vector<16xi32>
    %add3A_332 = arith.addi %add3A_325, %add3A_331 : vector<16xi32>
    %swap3A_333 = arith.constant 208 : index
    %swap3A_334 = tpu.vector_load %arg7[%swap3A_333] {strides = array<i32>} : memref<512xi32, #tpu.memory_space<vmem>>, vector<16xi32>,
    %swap3A_335 = vector.shape_cast %swap3A_334 : vector<16xi32> to vector<16xi32>
    %swap3A_336 = vector.shape_cast %add3A_332 : vector<16xi32> to vector<16xi32>
    tpu.vector_store %arg7[%swap3A_333], %swap3A_336 {strides = array<i32>} : memref<512xi32, #tpu.memory_space<vmem>>, vector<16xi32>,
    %get3A_337 = arith.constant 224 : index
    %get3A_338 = tpu.vector_load %arg5[%get3A_337] {strides = array<i32>} : memref<512xi32, #tpu.memory_space<vmem>>, vector<16xi32>,
    %get3A_339 = vector.shape_cast %get3A_338 : vector<16xi32> to vector<16xi32>
    %shift_right_arithmetic3A_340 = arith.constant 7 : i32
    %shift_right_arithmetic3A_341 = vector.broadcast %shift_right_arithmetic3A_340 : i32 to vector<16xi32>
    %shift_right_arithmetic3A_342 = arith.shrsi %get3A_339, %shift_right_arithmetic3A_341 : vector<16xi32>
    %shift_left3A_343 = arith.constant 8 : i32
    %shift_left3A_344 = vector.broadcast %shift_left3A_343 : i32 to vector<16xi32>
    %shift_left3A_345 = arith.shli %shift_right_arithmetic3A_342, %shift_left3A_344 : vector<16xi32>
    %and3A_346 = arith.constant 127 : i32
    %and3A_347 = vector.broadcast %and3A_346 : i32 to vector<16xi32>
    %and3A_348 = arith.andi %get3A_339, %and3A_347 : vector<16xi32>
    %add3A_349 = arith.addi %shift_left3A_345, %and3A_348 : vector<16xi32>
    %swap3A_350 = arith.constant 224 : index
    %swap3A_351 = tpu.vector_load %arg6[%swap3A_350] {strides = array<i32>} : memref<512xi32, #tpu.memory_space<vmem>>, vector<16xi32>,
    %swap3A_352 = vector.shape_cast %swap3A_351 : vector<16xi32> to vector<16xi32>
    %swap3A_353 = vector.shape_cast %add3A_349 : vector<16xi32> to vector<16xi32>
    tpu.vector_store %arg6[%swap3A_350], %swap3A_353 {strides = array<i32>} : memref<512xi32, #tpu.memory_space<vmem>>, vector<16xi32>,
    %add3A_354 = arith.constant 128 : i32
    %add3A_355 = vector.broadcast %add3A_354 : i32 to vector<16xi32>
    %add3A_356 = arith.addi %add3A_349, %add3A_355 : vector<16xi32>
    %swap3A_357 = arith.constant 224 : index
    %swap3A_358 = tpu.vector_load %arg7[%swap3A_357] {strides = array<i32>} : memref<512xi32, #tpu.memory_space<vmem>>, vector<16xi32>,
    %swap3A_359 = vector.shape_cast %swap3A_358 : vector<16xi32> to vector<16xi32>
    %swap3A_360 = vector.shape_cast %add3A_356 : vector<16xi32> to vector<16xi32>
    tpu.vector_store %arg7[%swap3A_357], %swap3A_360 {strides = array<i32>} : memref<512xi32, #tpu.memory_space<vmem>>, vector<16xi32>,
    %get3A_361 = arith.constant 240 : index
    %get3A_362 = tpu.vector_load %arg5[%get3A_361] {strides = array<i32>} : memref<512xi32, #tpu.memory_space<vmem>>, vector<16xi32>,
    %get3A_363 = vector.shape_cast %get3A_362 : vector<16xi32> to vector<16xi32>
    %shift_right_arithmetic3A_364 = arith.constant 7 : i32
    %shift_right_arithmetic3A_365 = vector.broadcast %shift_right_arithmetic3A_364 : i32 to vector<16xi32>
    %shift_right_arithmetic3A_366 = arith.shrsi %get3A_363, %shift_right_arithmetic3A_365 : vector<16xi32>
    %shift_left3A_367 = arith.constant 8 : i32
    %shift_left3A_368 = vector.broadcast %shift_left3A_367 : i32 to vector<16xi32>
    %shift_left3A_369 = arith.shli %shift_right_arithmetic3A_366, %shift_left3A_368 : vector<16xi32>
    %and3A_370 = arith.constant 127 : i32
    %and3A_371 = vector.broadcast %and3A_370 : i32 to vector<16xi32>
    %and3A_372 = arith.andi %get3A_363, %and3A_371 : vector<16xi32>
    %add3A_373 = arith.addi %shift_left3A_369, %and3A_372 : vector<16xi32>
    %swap3A_374 = arith.constant 240 : index
    %swap3A_375 = tpu.vector_load %arg6[%swap3A_374] {strides = array<i32>} : memref<512xi32, #tpu.memory_space<vmem>>, vector<16xi32>,
    %swap3A_376 = vector.shape_cast %swap3A_375 : vector<16xi32> to vector<16xi32>
    %swap3A_377 = vector.shape_cast %add3A_373 : vector<16xi32> to vector<16xi32>
    tpu.vector_store %arg6[%swap3A_374], %swap3A_377 {strides = array<i32>} : memref<512xi32, #tpu.memory_space<vmem>>, vector<16xi32>,
    %add3A_378 = arith.constant 128 : i32
    %add3A_379 = vector.broadcast %add3A_378 : i32 to vector<16xi32>
    %add3A_380 = arith.addi %add3A_373, %add3A_379 : vector<16xi32>
    %swap3A_381 = arith.constant 240 : index
    %swap3A_382 = tpu.vector_load %arg7[%swap3A_381] {strides = array<i32>} : memref<512xi32, #tpu.memory_space<vmem>>, vector<16xi32>,
    %swap3A_383 = vector.shape_cast %swap3A_382 : vector<16xi32> to vector<16xi32>
    %swap3A_384 = vector.shape_cast %add3A_380 : vector<16xi32> to vector<16xi32>
    tpu.vector_store %arg7[%swap3A_381], %swap3A_384 {strides = array<i32>} : memref<512xi32, #tpu.memory_space<vmem>>, vector<16xi32>,
    %get3A_385 = arith.constant 256 : index
    %get3A_386 = tpu.vector_load %arg5[%get3A_385] {strides = array<i32>} : memref<512xi32, #tpu.memory_space<vmem>>, vector<16xi32>,
    %get3A_387 = vector.shape_cast %get3A_386 : vector<16xi32> to vector<16xi32>
    %shift_right_arithmetic3A_388 = arith.constant 7 : i32
    %shift_right_arithmetic3A_389 = vector.broadcast %shift_right_arithmetic3A_388 : i32 to vector<16xi32>
    %shift_right_arithmetic3A_390 = arith.shrsi %get3A_387, %shift_right_arithmetic3A_389 : vector<16xi32>
    %shift_left3A_391 = arith.constant 8 : i32
    %shift_left3A_392 = vector.broadcast %shift_left3A_391 : i32 to vector<16xi32>
    %shift_left3A_393 = arith.shli %shift_right_arithmetic3A_390, %shift_left3A_392 : vector<16xi32>
    %and3A_394 = arith.constant 127 : i32
    %and3A_395 = vector.broadcast %and3A_394 : i32 to vector<16xi32>
    %and3A_396 = arith.andi %get3A_387, %and3A_395 : vector<16xi32>
    %add3A_397 = arith.addi %shift_left3A_393, %and3A_396 : vector<16xi32>
    %swap3A_398 = arith.constant 256 : index
    %swap3A_399 = tpu.vector_load %arg6[%swap3A_398] {strides = array<i32>} : memref<512xi32, #tpu.memory_space<vmem>>, vector<16xi32>,
    %swap3A_400 = vector.shape_cast %swap3A_399 : vector<16xi32> to vector<16xi32>
    %swap3A_401 = vector.shape_cast %add3A_397 : vector<16xi32> to vector<16xi32>
    tpu.vector_store %arg6[%swap3A_398], %swap3A_401 {strides = array<i32>} : memref<512xi32, #tpu.memory_space<vmem>>, vector<16xi32>,
    %add3A_402 = arith.constant 128 : i32
    %add3A_403 = vector.broadcast %add3A_402 : i32 to vector<16xi32>
    %add3A_404 = arith.addi %add3A_397, %add3A_403 : vector<16xi32>
    %swap3A_405 = arith.constant 256 : index
    %swap3A_406 = tpu.vector_load %arg7[%swap3A_405] {strides = array<i32>} : memref<512xi32, #tpu.memory_space<vmem>>, vector<16xi32>,
    %swap3A_407 = vector.shape_cast %swap3A_406 : vector<16xi32> to vector<16xi32>
    %swap3A_408 = vector.shape_cast %add3A_404 : vector<16xi32> to vector<16xi32>
    tpu.vector_store %arg7[%swap3A_405], %swap3A_408 {strides = array<i32>} : memref<512xi32, #tpu.memory_space<vmem>>, vector<16xi32>,
    %get3A_409 = arith.constant 272 : index
    %get3A_410 = tpu.vector_load %arg5[%get3A_409] {strides = array<i32>} : memref<512xi32, #tpu.memory_space<vmem>>, vector<16xi32>,
    %get3A_411 = vector.shape_cast %get3A_410 : vector<16xi32> to vector<16xi32>
    %shift_right_arithmetic3A_412 = arith.constant 7 : i32
    %shift_right_arithmetic3A_413 = vector.broadcast %shift_right_arithmetic3A_412 : i32 to vector<16xi32>
    %shift_right_arithmetic3A_414 = arith.shrsi %get3A_411, %shift_right_arithmetic3A_413 : vector<16xi32>
    %shift_left3A_415 = arith.constant 8 : i32
    %shift_left3A_416 = vector.broadcast %shift_left3A_415 : i32 to vector<16xi32>
    %shift_left3A_417 = arith.shli %shift_right_arithmetic3A_414, %shift_left3A_416 : vector<16xi32>
    %and3A_418 = arith.constant 127 : i32
    %and3A_419 = vector.broadcast %and3A_418 : i32 to vector<16xi32>
    %and3A_420 = arith.andi %get3A_411, %and3A_419 : vector<16xi32>
    %add3A_421 = arith.addi %shift_left3A_417, %and3A_420 : vector<16xi32>
    %swap3A_422 = arith.constant 272 : index
    %swap3A_423 = tpu.vector_load %arg6[%swap3A_422] {strides = array<i32>} : memref<512xi32, #tpu.memory_space<vmem>>, vector<16xi32>,
    %swap3A_424 = vector.shape_cast %swap3A_423 : vector<16xi32> to vector<16xi32>
    %swap3A_425 = vector.shape_cast %add3A_421 : vector<16xi32> to vector<16xi32>
    tpu.vector_store %arg6[%swap3A_422], %swap3A_425 {strides = array<i32>} : memref<512xi32, #tpu.memory_space<vmem>>, vector<16xi32>,
    %add3A_426 = arith.constant 128 : i32
    %add3A_427 = vector.broadcast %add3A_426 : i32 to vector<16xi32>
    %add3A_428 = arith.addi %add3A_421, %add3A_427 : vector<16xi32>
    %swap3A_429 = arith.constant 272 : index
    %swap3A_430 = tpu.vector_load %arg7[%swap3A_429] {strides = array<i32>} : memref<512xi32, #tpu.memory_space<vmem>>, vector<16xi32>,
    %swap3A_431 = vector.shape_cast %swap3A_430 : vector<16xi32> to vector<16xi32>
    %swap3A_432 = vector.shape_cast %add3A_428 : vector<16xi32> to vector<16xi32>
    tpu.vector_store %arg7[%swap3A_429], %swap3A_432 {strides = array<i32>} : memref<512xi32, #tpu.memory_space<vmem>>, vector<16xi32>,
    %get3A_433 = arith.constant 288 : index
    %get3A_434 = tpu.vector_load %arg5[%get3A_433] {strides = array<i32>} : memref<512xi32, #tpu.memory_space<vmem>>, vector<16xi32>,
    %get3A_435 = vector.shape_cast %get3A_434 : vector<16xi32> to vector<16xi32>
    %shift_right_arithmetic3A_436 = arith.constant 7 : i32
    %shift_right_arithmetic3A_437 = vector.broadcast %shift_right_arithmetic3A_436 : i32 to vector<16xi32>
    %shift_right_arithmetic3A_438 = arith.shrsi %get3A_435, %shift_right_arithmetic3A_437 : vector<16xi32>
    %shift_left3A_439 = arith.constant 8 : i32
    %shift_left3A_440 = vector.broadcast %shift_left3A_439 : i32 to vector<16xi32>
    %shift_left3A_441 = arith.shli %shift_right_arithmetic3A_438, %shift_left3A_440 : vector<16xi32>
    %and3A_442 = arith.constant 127 : i32
    %and3A_443 = vector.broadcast %and3A_442 : i32 to vector<16xi32>
    %and3A_444 = arith.andi %get3A_435, %and3A_443 : vector<16xi32>
    %add3A_445 = arith.addi %shift_left3A_441, %and3A_444 : vector<16xi32>
    %swap3A_446 = arith.constant 288 : index
    %swap3A_447 = tpu.vector_load %arg6[%swap3A_446] {strides = array<i32>} : memref<512xi32, #tpu.memory_space<vmem>>, vector<16xi32>,
    %swap3A_448 = vector.shape_cast %swap3A_447 : vector<16xi32> to vector<16xi32>
    %swap3A_449 = vector.shape_cast %add3A_445 : vector<16xi32> to vector<16xi32>
    tpu.vector_store %arg6[%swap3A_446], %swap3A_449 {strides = array<i32>} : memref<512xi32, #tpu.memory_space<vmem>>, vector<16xi32>,
    %add3A_450 = arith.constant 128 : i32
    %add3A_451 = vector.broadcast %add3A_450 : i32 to vector<16xi32>
    %add3A_452 = arith.addi %add3A_445, %add3A_451 : vector<16xi32>
    %swap3A_453 = arith.constant 288 : index
    %swap3A_454 = tpu.vector_load %arg7[%swap3A_453] {strides = array<i32>} : memref<512xi32, #tpu.memory_space<vmem>>, vector<16xi32>,
    %swap3A_455 = vector.shape_cast %swap3A_454 : vector<16xi32> to vector<16xi32>
    %swap3A_456 = vector.shape_cast %add3A_452 : vector<16xi32> to vector<16xi32>
    tpu.vector_store %arg7[%swap3A_453], %swap3A_456 {strides = array<i32>} : memref<512xi32, #tpu.memory_space<vmem>>, vector<16xi32>,
    %get3A_457 = arith.constant 304 : index
    %get3A_458 = tpu.vector_load %arg5[%get3A_457] {strides = array<i32>} : memref<512xi32, #tpu.memory_space<vmem>>, vector<16xi32>,
    %get3A_459 = vector.shape_cast %get3A_458 : vector<16xi32> to vector<16xi32>
    %shift_right_arithmetic3A_460 = arith.constant 7 : i32
    %shift_right_arithmetic3A_461 = vector.broadcast %shift_right_arithmetic3A_460 : i32 to vector<16xi32>
    %shift_right_arithmetic3A_462 = arith.shrsi %get3A_459, %shift_right_arithmetic3A_461 : vector<16xi32>
    %shift_left3A_463 = arith.constant 8 : i32
    %shift_left3A_464 = vector.broadcast %shift_left3A_463 : i32 to vector<16xi32>
    %shift_left3A_465 = arith.shli %shift_right_arithmetic3A_462, %shift_left3A_464 : vector<16xi32>
    %and3A_466 = arith.constant 127 : i32
    %and3A_467 = vector.broadcast %and3A_466 : i32 to vector<16xi32>
    %and3A_468 = arith.andi %get3A_459, %and3A_467 : vector<16xi32>
    %add3A_469 = arith.addi %shift_left3A_465, %and3A_468 : vector<16xi32>
    %swap3A_470 = arith.constant 304 : index
    %swap3A_471 = tpu.vector_load %arg6[%swap3A_470] {strides = array<i32>} : memref<512xi32, #tpu.memory_space<vmem>>, vector<16xi32>,
    %swap3A_472 = vector.shape_cast %swap3A_471 : vector<16xi32> to vector<16xi32>
    %swap3A_473 = vector.shape_cast %add3A_469 : vector<16xi32> to vector<16xi32>
    tpu.vector_store %arg6[%swap3A_470], %swap3A_473 {strides = array<i32>} : memref<512xi32, #tpu.memory_space<vmem>>, vector<16xi32>,
    %add3A_474 = arith.constant 128 : i32
    %add3A_475 = vector.broadcast %add3A_474 : i32 to vector<16xi32>
    %add3A_476 = arith.addi %add3A_469, %add3A_475 : vector<16xi32>
    %swap3A_477 = arith.constant 304 : index
    %swap3A_478 = tpu.vector_load %arg7[%swap3A_477] {strides = array<i32>} : memref<512xi32, #tpu.memory_space<vmem>>, vector<16xi32>,
    %swap3A_479 = vector.shape_cast %swap3A_478 : vector<16xi32> to vector<16xi32>
    %swap3A_480 = vector.shape_cast %add3A_476 : vector<16xi32> to vector<16xi32>
    tpu.vector_store %arg7[%swap3A_477], %swap3A_480 {strides = array<i32>} : memref<512xi32, #tpu.memory_space<vmem>>, vector<16xi32>,
    %get3A_481 = arith.constant 320 : index
    %get3A_482 = tpu.vector_load %arg5[%get3A_481] {strides = array<i32>} : memref<512xi32, #tpu.memory_space<vmem>>, vector<16xi32>,
    %get3A_483 = vector.shape_cast %get3A_482 : vector<16xi32> to vector<16xi32>
    %shift_right_arithmetic3A_484 = arith.constant 7 : i32
    %shift_right_arithmetic3A_485 = vector.broadcast %shift_right_arithmetic3A_484 : i32 to vector<16xi32>
    %shift_right_arithmetic3A_486 = arith.shrsi %get3A_483, %shift_right_arithmetic3A_485 : vector<16xi32>
    %shift_left3A_487 = arith.constant 8 : i32
    %shift_left3A_488 = vector.broadcast %shift_left3A_487 : i32 to vector<16xi32>
    %shift_left3A_489 = arith.shli %shift_right_arithmetic3A_486, %shift_left3A_488 : vector<16xi32>
    %and3A_490 = arith.constant 127 : i32
    %and3A_491 = vector.broadcast %and3A_490 : i32 to vector<16xi32>
    %and3A_492 = arith.andi %get3A_483, %and3A_491 : vector<16xi32>
    %add3A_493 = arith.addi %shift_left3A_489, %and3A_492 : vector<16xi32>
    %swap3A_494 = arith.constant 320 : index
    %swap3A_495 = tpu.vector_load %arg6[%swap3A_494] {strides = array<i32>} : memref<512xi32, #tpu.memory_space<vmem>>, vector<16xi32>,
    %swap3A_496 = vector.shape_cast %swap3A_495 : vector<16xi32> to vector<16xi32>
    %swap3A_497 = vector.shape_cast %add3A_493 : vector<16xi32> to vector<16xi32>
    tpu.vector_store %arg6[%swap3A_494], %swap3A_497 {strides = array<i32>} : memref<512xi32, #tpu.memory_space<vmem>>, vector<16xi32>,
    %add3A_498 = arith.constant 128 : i32
    %add3A_499 = vector.broadcast %add3A_498 : i32 to vector<16xi32>
    %add3A_500 = arith.addi %add3A_493, %add3A_499 : vector<16xi32>
    %swap3A_501 = arith.constant 320 : index
    %swap3A_502 = tpu.vector_load %arg7[%swap3A_501] {strides = array<i32>} : memref<512xi32, #tpu.memory_space<vmem>>, vector<16xi32>,
    %swap3A_503 = vector.shape_cast %swap3A_502 : vector<16xi32> to vector<16xi32>
    %swap3A_504 = vector.shape_cast %add3A_500 : vector<16xi32> to vector<16xi32>
    tpu.vector_store %arg7[%swap3A_501], %swap3A_504 {strides = array<i32>} : memref<512xi32, #tpu.memory_space<vmem>>, vector<16xi32>,
    %get3A_505 = arith.constant 336 : index
    %get3A_506 = tpu.vector_load %arg5[%get3A_505] {strides = array<i32>} : memref<512xi32, #tpu.memory_space<vmem>>, vector<16xi32>,
    %get3A_507 = vector.shape_cast %get3A_506 : vector<16xi32> to vector<16xi32>
    %shift_right_arithmetic3A_508 = arith.constant 7 : i32
    %shift_right_arithmetic3A_509 = vector.broadcast %shift_right_arithmetic3A_508 : i32 to vector<16xi32>
    %shift_right_arithmetic3A_510 = arith.shrsi %get3A_507, %shift_right_arithmetic3A_509 : vector<16xi32>
    %shift_left3A_511 = arith.constant 8 : i32
    %shift_left3A_512 = vector.broadcast %shift_left3A_511 : i32 to vector<16xi32>
    %shift_left3A_513 = arith.shli %shift_right_arithmetic3A_510, %shift_left3A_512 : vector<16xi32>
    %and3A_514 = arith.constant 127 : i32
    %and3A_515 = vector.broadcast %and3A_514 : i32 to vector<16xi32>
    %and3A_516 = arith.andi %get3A_507, %and3A_515 : vector<16xi32>
    %add3A_517 = arith.addi %shift_left3A_513, %and3A_516 : vector<16xi32>
    %swap3A_518 = arith.constant 336 : index
    %swap3A_519 = tpu.vector_load %arg6[%swap3A_518] {strides = array<i32>} : memref<512xi32, #tpu.memory_space<vmem>>, vector<16xi32>,
    %swap3A_520 = vector.shape_cast %swap3A_519 : vector<16xi32> to vector<16xi32>
    %swap3A_521 = vector.shape_cast %add3A_517 : vector<16xi32> to vector<16xi32>
    tpu.vector_store %arg6[%swap3A_518], %swap3A_521 {strides = array<i32>} : memref<512xi32, #tpu.memory_space<vmem>>, vector<16xi32>,
    %add3A_522 = arith.constant 128 : i32
    %add3A_523 = vector.broadcast %add3A_522 : i32 to vector<16xi32>
    %add3A_524 = arith.addi %add3A_517, %add3A_523 : vector<16xi32>
    %swap3A_525 = arith.constant 336 : index
    %swap3A_526 = tpu.vector_load %arg7[%swap3A_525] {strides = array<i32>} : memref<512xi32, #tpu.memory_space<vmem>>, vector<16xi32>,
    %swap3A_527 = vector.shape_cast %swap3A_526 : vector<16xi32> to vector<16xi32>
    %swap3A_528 = vector.shape_cast %add3A_524 : vector<16xi32> to vector<16xi32>
    tpu.vector_store %arg7[%swap3A_525], %swap3A_528 {strides = array<i32>} : memref<512xi32, #tpu.memory_space<vmem>>, vector<16xi32>,
    %get3A_529 = arith.constant 352 : index
    %get3A_530 = tpu.vector_load %arg5[%get3A_529] {strides = array<i32>} : memref<512xi32, #tpu.memory_space<vmem>>, vector<16xi32>,
    %get3A_531 = vector.shape_cast %get3A_530 : vector<16xi32> to vector<16xi32>
    %shift_right_arithmetic3A_532 = arith.constant 7 : i32
    %shift_right_arithmetic3A_533 = vector.broadcast %shift_right_arithmetic3A_532 : i32 to vector<16xi32>
    %shift_right_arithmetic3A_534 = arith.shrsi %get3A_531, %shift_right_arithmetic3A_533 : vector<16xi32>
    %shift_left3A_535 = arith.constant 8 : i32
    %shift_left3A_536 = vector.broadcast %shift_left3A_535 : i32 to vector<16xi32>
    %shift_left3A_537 = arith.shli %shift_right_arithmetic3A_534, %shift_left3A_536 : vector<16xi32>
    %and3A_538 = arith.constant 127 : i32
    %and3A_539 = vector.broadcast %and3A_538 : i32 to vector<16xi32>
    %and3A_540 = arith.andi %get3A_531, %and3A_539 : vector<16xi32>
    %add3A_541 = arith.addi %shift_left3A_537, %and3A_540 : vector<16xi32>
    %swap3A_542 = arith.constant 352 : index
    %swap3A_543 = tpu.vector_load %arg6[%swap3A_542] {strides = array<i32>} : memref<512xi32, #tpu.memory_space<vmem>>, vector<16xi32>,
    %swap3A_544 = vector.shape_cast %swap3A_543 : vector<16xi32> to vector<16xi32>
    %swap3A_545 = vector.shape_cast %add3A_541 : vector<16xi32> to vector<16xi32>
    tpu.vector_store %arg6[%swap3A_542], %swap3A_545 {strides = array<i32>} : memref<512xi32, #tpu.memory_space<vmem>>, vector<16xi32>,
    %add3A_546 = arith.constant 128 : i32
    %add3A_547 = vector.broadcast %add3A_546 : i32 to vector<16xi32>
    %add3A_548 = arith.addi %add3A_541, %add3A_547 : vector<16xi32>
    %swap3A_549 = arith.constant 352 : index
    %swap3A_550 = tpu.vector_load %arg7[%swap3A_549] {strides = array<i32>} : memref<512xi32, #tpu.memory_space<vmem>>, vector<16xi32>,
    %swap3A_551 = vector.shape_cast %swap3A_550 : vector<16xi32> to vector<16xi32>
    %swap3A_552 = vector.shape_cast %add3A_548 : vector<16xi32> to vector<16xi32>
    tpu.vector_store %arg7[%swap3A_549], %swap3A_552 {strides = array<i32>} : memref<512xi32, #tpu.memory_space<vmem>>, vector<16xi32>,
    %get3A_553 = arith.constant 368 : index
    %get3A_554 = tpu.vector_load %arg5[%get3A_553] {strides = array<i32>} : memref<512xi32, #tpu.memory_space<vmem>>, vector<16xi32>,
    %get3A_555 = vector.shape_cast %get3A_554 : vector<16xi32> to vector<16xi32>
    %shift_right_arithmetic3A_556 = arith.constant 7 : i32
    %shift_right_arithmetic3A_557 = vector.broadcast %shift_right_arithmetic3A_556 : i32 to vector<16xi32>
    %shift_right_arithmetic3A_558 = arith.shrsi %get3A_555, %shift_right_arithmetic3A_557 : vector<16xi32>
    %shift_left3A_559 = arith.constant 8 : i32
    %shift_left3A_560 = vector.broadcast %shift_left3A_559 : i32 to vector<16xi32>
    %shift_left3A_561 = arith.shli %shift_right_arithmetic3A_558, %shift_left3A_560 : vector<16xi32>
    %and3A_562 = arith.constant 127 : i32
    %and3A_563 = vector.broadcast %and3A_562 : i32 to vector<16xi32>
    %and3A_564 = arith.andi %get3A_555, %and3A_563 : vector<16xi32>
    %add3A_565 = arith.addi %shift_left3A_561, %and3A_564 : vector<16xi32>
    %swap3A_566 = arith.constant 368 : index
    %swap3A_567 = tpu.vector_load %arg6[%swap3A_566] {strides = array<i32>} : memref<512xi32, #tpu.memory_space<vmem>>, vector<16xi32>,
    %swap3A_568 = vector.shape_cast %swap3A_567 : vector<16xi32> to vector<16xi32>
    %swap3A_569 = vector.shape_cast %add3A_565 : vector<16xi32> to vector<16xi32>
    tpu.vector_store %arg6[%swap3A_566], %swap3A_569 {strides = array<i32>} : memref<512xi32, #tpu.memory_space<vmem>>, vector<16xi32>,
    %add3A_570 = arith.constant 128 : i32
    %add3A_571 = vector.broadcast %add3A_570 : i32 to vector<16xi32>
    %add3A_572 = arith.addi %add3A_565, %add3A_571 : vector<16xi32>
    %swap3A_573 = arith.constant 368 : index
    %swap3A_574 = tpu.vector_load %arg7[%swap3A_573] {strides = array<i32>} : memref<512xi32, #tpu.memory_space<vmem>>, vector<16xi32>,
    %swap3A_575 = vector.shape_cast %swap3A_574 : vector<16xi32> to vector<16xi32>
    %swap3A_576 = vector.shape_cast %add3A_572 : vector<16xi32> to vector<16xi32>
    tpu.vector_store %arg7[%swap3A_573], %swap3A_576 {strides = array<i32>} : memref<512xi32, #tpu.memory_space<vmem>>, vector<16xi32>,
    %get3A_577 = arith.constant 384 : index
    %get3A_578 = tpu.vector_load %arg5[%get3A_577] {strides = array<i32>} : memref<512xi32, #tpu.memory_space<vmem>>, vector<16xi32>,
    %get3A_579 = vector.shape_cast %get3A_578 : vector<16xi32> to vector<16xi32>
    %shift_right_arithmetic3A_580 = arith.constant 7 : i32
    %shift_right_arithmetic3A_581 = vector.broadcast %shift_right_arithmetic3A_580 : i32 to vector<16xi32>
    %shift_right_arithmetic3A_582 = arith.shrsi %get3A_579, %shift_right_arithmetic3A_581 : vector<16xi32>
    %shift_left3A_583 = arith.constant 8 : i32
    %shift_left3A_584 = vector.broadcast %shift_left3A_583 : i32 to vector<16xi32>
    %shift_left3A_585 = arith.shli %shift_right_arithmetic3A_582, %shift_left3A_584 : vector<16xi32>
    %and3A_586 = arith.constant 127 : i32
    %and3A_587 = vector.broadcast %and3A_586 : i32 to vector<16xi32>
    %and3A_588 = arith.andi %get3A_579, %and3A_587 : vector<16xi32>
    %add3A_589 = arith.addi %shift_left3A_585, %and3A_588 : vector<16xi32>
    %swap3A_590 = arith.constant 384 : index
    %swap3A_591 = tpu.vector_load %arg6[%swap3A_590] {strides = array<i32>} : memref<512xi32, #tpu.memory_space<vmem>>, vector<16xi32>,
    %swap3A_592 = vector.shape_cast %swap3A_591 : vector<16xi32> to vector<16xi32>
    %swap3A_593 = vector.shape_cast %add3A_589 : vector<16xi32> to vector<16xi32>
    tpu.vector_store %arg6[%swap3A_590], %swap3A_593 {strides = array<i32>} : memref<512xi32, #tpu.memory_space<vmem>>, vector<16xi32>,
    %add3A_594 = arith.constant 128 : i32
    %add3A_595 = vector.broadcast %add3A_594 : i32 to vector<16xi32>
    %add3A_596 = arith.addi %add3A_589, %add3A_595 : vector<16xi32>
    %swap3A_597 = arith.constant 384 : index
    %swap3A_598 = tpu.vector_load %arg7[%swap3A_597] {strides = array<i32>} : memref<512xi32, #tpu.memory_space<vmem>>, vector<16xi32>,
    %swap3A_599 = vector.shape_cast %swap3A_598 : vector<16xi32> to vector<16xi32>
    %swap3A_600 = vector.shape_cast %add3A_596 : vector<16xi32> to vector<16xi32>
    tpu.vector_store %arg7[%swap3A_597], %swap3A_600 {strides = array<i32>} : memref<512xi32, #tpu.memory_space<vmem>>, vector<16xi32>,
    %get3A_601 = arith.constant 400 : index
    %get3A_602 = tpu.vector_load %arg5[%get3A_601] {strides = array<i32>} : memref<512xi32, #tpu.memory_space<vmem>>, vector<16xi32>,
    %get3A_603 = vector.shape_cast %get3A_602 : vector<16xi32> to vector<16xi32>
    %shift_right_arithmetic3A_604 = arith.constant 7 : i32
    %shift_right_arithmetic3A_605 = vector.broadcast %shift_right_arithmetic3A_604 : i32 to vector<16xi32>
    %shift_right_arithmetic3A_606 = arith.shrsi %get3A_603, %shift_right_arithmetic3A_605 : vector<16xi32>
    %shift_left3A_607 = arith.constant 8 : i32
    %shift_left3A_608 = vector.broadcast %shift_left3A_607 : i32 to vector<16xi32>
    %shift_left3A_609 = arith.shli %shift_right_arithmetic3A_606, %shift_left3A_608 : vector<16xi32>
    %and3A_610 = arith.constant 127 : i32
    %and3A_611 = vector.broadcast %and3A_610 : i32 to vector<16xi32>
    %and3A_612 = arith.andi %get3A_603, %and3A_611 : vector<16xi32>
    %add3A_613 = arith.addi %shift_left3A_609, %and3A_612 : vector<16xi32>
    %swap3A_614 = arith.constant 400 : index
    %swap3A_615 = tpu.vector_load %arg6[%swap3A_614] {strides = array<i32>} : memref<512xi32, #tpu.memory_space<vmem>>, vector<16xi32>,
    %swap3A_616 = vector.shape_cast %swap3A_615 : vector<16xi32> to vector<16xi32>
    %swap3A_617 = vector.shape_cast %add3A_613 : vector<16xi32> to vector<16xi32>
    tpu.vector_store %arg6[%swap3A_614], %swap3A_617 {strides = array<i32>} : memref<512xi32, #tpu.memory_space<vmem>>, vector<16xi32>,
    %add3A_618 = arith.constant 128 : i32
    %add3A_619 = vector.broadcast %add3A_618 : i32 to vector<16xi32>
    %add3A_620 = arith.addi %add3A_613, %add3A_619 : vector<16xi32>
    %swap3A_621 = arith.constant 400 : index
    %swap3A_622 = tpu.vector_load %arg7[%swap3A_621] {strides = array<i32>} : memref<512xi32, #tpu.memory_space<vmem>>, vector<16xi32>,
    %swap3A_623 = vector.shape_cast %swap3A_622 : vector<16xi32> to vector<16xi32>
    %swap3A_624 = vector.shape_cast %add3A_620 : vector<16xi32> to vector<16xi32>
    tpu.vector_store %arg7[%swap3A_621], %swap3A_624 {strides = array<i32>} : memref<512xi32, #tpu.memory_space<vmem>>, vector<16xi32>,
    %get3A_625 = arith.constant 416 : index
    %get3A_626 = tpu.vector_load %arg5[%get3A_625] {strides = array<i32>} : memref<512xi32, #tpu.memory_space<vmem>>, vector<16xi32>,
    %get3A_627 = vector.shape_cast %get3A_626 : vector<16xi32> to vector<16xi32>
    %shift_right_arithmetic3A_628 = arith.constant 7 : i32
    %shift_right_arithmetic3A_629 = vector.broadcast %shift_right_arithmetic3A_628 : i32 to vector<16xi32>
    %shift_right_arithmetic3A_630 = arith.shrsi %get3A_627, %shift_right_arithmetic3A_629 : vector<16xi32>
    %shift_left3A_631 = arith.constant 8 : i32
    %shift_left3A_632 = vector.broadcast %shift_left3A_631 : i32 to vector<16xi32>
    %shift_left3A_633 = arith.shli %shift_right_arithmetic3A_630, %shift_left3A_632 : vector<16xi32>
    %and3A_634 = arith.constant 127 : i32
    %and3A_635 = vector.broadcast %and3A_634 : i32 to vector<16xi32>
    %and3A_636 = arith.andi %get3A_627, %and3A_635 : vector<16xi32>
    %add3A_637 = arith.addi %shift_left3A_633, %and3A_636 : vector<16xi32>
    %swap3A_638 = arith.constant 416 : index
    %swap3A_639 = tpu.vector_load %arg6[%swap3A_638] {strides = array<i32>} : memref<512xi32, #tpu.memory_space<vmem>>, vector<16xi32>,
    %swap3A_640 = vector.shape_cast %swap3A_639 : vector<16xi32> to vector<16xi32>
    %swap3A_641 = vector.shape_cast %add3A_637 : vector<16xi32> to vector<16xi32>
    tpu.vector_store %arg6[%swap3A_638], %swap3A_641 {strides = array<i32>} : memref<512xi32, #tpu.memory_space<vmem>>, vector<16xi32>,
    %add3A_642 = arith.constant 128 : i32
    %add3A_643 = vector.broadcast %add3A_642 : i32 to vector<16xi32>
    %add3A_644 = arith.addi %add3A_637, %add3A_643 : vector<16xi32>
    %swap3A_645 = arith.constant 416 : index
    %swap3A_646 = tpu.vector_load %arg7[%swap3A_645] {strides = array<i32>} : memref<512xi32, #tpu.memory_space<vmem>>, vector<16xi32>,
    %swap3A_647 = vector.shape_cast %swap3A_646 : vector<16xi32> to vector<16xi32>
    %swap3A_648 = vector.shape_cast %add3A_644 : vector<16xi32> to vector<16xi32>
    tpu.vector_store %arg7[%swap3A_645], %swap3A_648 {strides = array<i32>} : memref<512xi32, #tpu.memory_space<vmem>>, vector<16xi32>,
    %get3A_649 = arith.constant 432 : index
    %get3A_650 = tpu.vector_load %arg5[%get3A_649] {strides = array<i32>} : memref<512xi32, #tpu.memory_space<vmem>>, vector<16xi32>,
    %get3A_651 = vector.shape_cast %get3A_650 : vector<16xi32> to vector<16xi32>
    %shift_right_arithmetic3A_652 = arith.constant 7 : i32
    %shift_right_arithmetic3A_653 = vector.broadcast %shift_right_arithmetic3A_652 : i32 to vector<16xi32>
    %shift_right_arithmetic3A_654 = arith.shrsi %get3A_651, %shift_right_arithmetic3A_653 : vector<16xi32>
    %shift_left3A_655 = arith.constant 8 : i32
    %shift_left3A_656 = vector.broadcast %shift_left3A_655 : i32 to vector<16xi32>
    %shift_left3A_657 = arith.shli %shift_right_arithmetic3A_654, %shift_left3A_656 : vector<16xi32>
    %and3A_658 = arith.constant 127 : i32
    %and3A_659 = vector.broadcast %and3A_658 : i32 to vector<16xi32>
    %and3A_660 = arith.andi %get3A_651, %and3A_659 : vector<16xi32>
    %add3A_661 = arith.addi %shift_left3A_657, %and3A_660 : vector<16xi32>
    %swap3A_662 = arith.constant 432 : index
    %swap3A_663 = tpu.vector_load %arg6[%swap3A_662] {strides = array<i32>} : memref<512xi32, #tpu.memory_space<vmem>>, vector<16xi32>,
    %swap3A_664 = vector.shape_cast %swap3A_663 : vector<16xi32> to vector<16xi32>
    %swap3A_665 = vector.shape_cast %add3A_661 : vector<16xi32> to vector<16xi32>
    tpu.vector_store %arg6[%swap3A_662], %swap3A_665 {strides = array<i32>} : memref<512xi32, #tpu.memory_space<vmem>>, vector<16xi32>,
    %add3A_666 = arith.constant 128 : i32
    %add3A_667 = vector.broadcast %add3A_666 : i32 to vector<16xi32>
    %add3A_668 = arith.addi %add3A_661, %add3A_667 : vector<16xi32>
    %swap3A_669 = arith.constant 432 : index
    %swap3A_670 = tpu.vector_load %arg7[%swap3A_669] {strides = array<i32>} : memref<512xi32, #tpu.memory_space<vmem>>, vector<16xi32>,
    %swap3A_671 = vector.shape_cast %swap3A_670 : vector<16xi32> to vector<16xi32>
    %swap3A_672 = vector.shape_cast %add3A_668 : vector<16xi32> to vector<16xi32>
    tpu.vector_store %arg7[%swap3A_669], %swap3A_672 {strides = array<i32>} : memref<512xi32, #tpu.memory_space<vmem>>, vector<16xi32>,
    %get3A_673 = arith.constant 448 : index
    %get3A_674 = tpu.vector_load %arg5[%get3A_673] {strides = array<i32>} : memref<512xi32, #tpu.memory_space<vmem>>, vector<16xi32>,
    %get3A_675 = vector.shape_cast %get3A_674 : vector<16xi32> to vector<16xi32>
    %shift_right_arithmetic3A_676 = arith.constant 7 : i32
    %shift_right_arithmetic3A_677 = vector.broadcast %shift_right_arithmetic3A_676 : i32 to vector<16xi32>
    %shift_right_arithmetic3A_678 = arith.shrsi %get3A_675, %shift_right_arithmetic3A_677 : vector<16xi32>
    %shift_left3A_679 = arith.constant 8 : i32
    %shift_left3A_680 = vector.broadcast %shift_left3A_679 : i32 to vector<16xi32>
    %shift_left3A_681 = arith.shli %shift_right_arithmetic3A_678, %shift_left3A_680 : vector<16xi32>
    %and3A_682 = arith.constant 127 : i32
    %and3A_683 = vector.broadcast %and3A_682 : i32 to vector<16xi32>
    %and3A_684 = arith.andi %get3A_675, %and3A_683 : vector<16xi32>
    %add3A_685 = arith.addi %shift_left3A_681, %and3A_684 : vector<16xi32>
    %swap3A_686 = arith.constant 448 : index
    %swap3A_687 = tpu.vector_load %arg6[%swap3A_686] {strides = array<i32>} : memref<512xi32, #tpu.memory_space<vmem>>, vector<16xi32>,
    %swap3A_688 = vector.shape_cast %swap3A_687 : vector<16xi32> to vector<16xi32>
    %swap3A_689 = vector.shape_cast %add3A_685 : vector<16xi32> to vector<16xi32>
    tpu.vector_store %arg6[%swap3A_686], %swap3A_689 {strides = array<i32>} : memref<512xi32, #tpu.memory_space<vmem>>, vector<16xi32>,
    %add3A_690 = arith.constant 128 : i32
    %add3A_691 = vector.broadcast %add3A_690 : i32 to vector<16xi32>
    %add3A_692 = arith.addi %add3A_685, %add3A_691 : vector<16xi32>
    %swap3A_693 = arith.constant 448 : index
    %swap3A_694 = tpu.vector_load %arg7[%swap3A_693] {strides = array<i32>} : memref<512xi32, #tpu.memory_space<vmem>>, vector<16xi32>,
    %swap3A_695 = vector.shape_cast %swap3A_694 : vector<16xi32> to vector<16xi32>
    %swap3A_696 = vector.shape_cast %add3A_692 : vector<16xi32> to vector<16xi32>
    tpu.vector_store %arg7[%swap3A_693], %swap3A_696 {strides = array<i32>} : memref<512xi32, #tpu.memory_space<vmem>>, vector<16xi32>,
    %get3A_697 = arith.constant 464 : index
    %get3A_698 = tpu.vector_load %arg5[%get3A_697] {strides = array<i32>} : memref<512xi32, #tpu.memory_space<vmem>>, vector<16xi32>,
    %get3A_699 = vector.shape_cast %get3A_698 : vector<16xi32> to vector<16xi32>
    %shift_right_arithmetic3A_700 = arith.constant 7 : i32
    %shift_right_arithmetic3A_701 = vector.broadcast %shift_right_arithmetic3A_700 : i32 to vector<16xi32>
    %shift_right_arithmetic3A_702 = arith.shrsi %get3A_699, %shift_right_arithmetic3A_701 : vector<16xi32>
    %shift_left3A_703 = arith.constant 8 : i32
    %shift_left3A_704 = vector.broadcast %shift_left3A_703 : i32 to vector<16xi32>
    %shift_left3A_705 = arith.shli %shift_right_arithmetic3A_702, %shift_left3A_704 : vector<16xi32>
    %and3A_706 = arith.constant 127 : i32
    %and3A_707 = vector.broadcast %and3A_706 : i32 to vector<16xi32>
    %and3A_708 = arith.andi %get3A_699, %and3A_707 : vector<16xi32>
    %add3A_709 = arith.addi %shift_left3A_705, %and3A_708 : vector<16xi32>
    %swap3A_710 = arith.constant 464 : index
    %swap3A_711 = tpu.vector_load %arg6[%swap3A_710] {strides = array<i32>} : memref<512xi32, #tpu.memory_space<vmem>>, vector<16xi32>,
    %swap3A_712 = vector.shape_cast %swap3A_711 : vector<16xi32> to vector<16xi32>
    %swap3A_713 = vector.shape_cast %add3A_709 : vector<16xi32> to vector<16xi32>
    tpu.vector_store %arg6[%swap3A_710], %swap3A_713 {strides = array<i32>} : memref<512xi32, #tpu.memory_space<vmem>>, vector<16xi32>,
    %add3A_714 = arith.constant 128 : i32
    %add3A_715 = vector.broadcast %add3A_714 : i32 to vector<16xi32>
    %add3A_716 = arith.addi %add3A_709, %add3A_715 : vector<16xi32>
    %swap3A_717 = arith.constant 464 : index
    %swap3A_718 = tpu.vector_load %arg7[%swap3A_717] {strides = array<i32>} : memref<512xi32, #tpu.memory_space<vmem>>, vector<16xi32>,
    %swap3A_719 = vector.shape_cast %swap3A_718 : vector<16xi32> to vector<16xi32>
    %swap3A_720 = vector.shape_cast %add3A_716 : vector<16xi32> to vector<16xi32>
    tpu.vector_store %arg7[%swap3A_717], %swap3A_720 {strides = array<i32>} : memref<512xi32, #tpu.memory_space<vmem>>, vector<16xi32>,
    %get3A_721 = arith.constant 480 : index
    %get3A_722 = tpu.vector_load %arg5[%get3A_721] {strides = array<i32>} : memref<512xi32, #tpu.memory_space<vmem>>, vector<16xi32>,
    %get3A_723 = vector.shape_cast %get3A_722 : vector<16xi32> to vector<16xi32>
    %shift_right_arithmetic3A_724 = arith.constant 7 : i32
    %shift_right_arithmetic3A_725 = vector.broadcast %shift_right_arithmetic3A_724 : i32 to vector<16xi32>
    %shift_right_arithmetic3A_726 = arith.shrsi %get3A_723, %shift_right_arithmetic3A_725 : vector<16xi32>
    %shift_left3A_727 = arith.constant 8 : i32
    %shift_left3A_728 = vector.broadcast %shift_left3A_727 : i32 to vector<16xi32>
    %shift_left3A_729 = arith.shli %shift_right_arithmetic3A_726, %shift_left3A_728 : vector<16xi32>
    %and3A_730 = arith.constant 127 : i32
    %and3A_731 = vector.broadcast %and3A_730 : i32 to vector<16xi32>
    %and3A_732 = arith.andi %get3A_723, %and3A_731 : vector<16xi32>
    %add3A_733 = arith.addi %shift_left3A_729, %and3A_732 : vector<16xi32>
    %swap3A_734 = arith.constant 480 : index
    %swap3A_735 = tpu.vector_load %arg6[%swap3A_734] {strides = array<i32>} : memref<512xi32, #tpu.memory_space<vmem>>, vector<16xi32>,
    %swap3A_736 = vector.shape_cast %swap3A_735 : vector<16xi32> to vector<16xi32>
    %swap3A_737 = vector.shape_cast %add3A_733 : vector<16xi32> to vector<16xi32>
    tpu.vector_store %arg6[%swap3A_734], %swap3A_737 {strides = array<i32>} : memref<512xi32, #tpu.memory_space<vmem>>, vector<16xi32>,
    %add3A_738 = arith.constant 128 : i32
    %add3A_739 = vector.broadcast %add3A_738 : i32 to vector<16xi32>
    %add3A_740 = arith.addi %add3A_733, %add3A_739 : vector<16xi32>
    %swap3A_741 = arith.constant 480 : index
    %swap3A_742 = tpu.vector_load %arg7[%swap3A_741] {strides = array<i32>} : memref<512xi32, #tpu.memory_space<vmem>>, vector<16xi32>,
    %swap3A_743 = vector.shape_cast %swap3A_742 : vector<16xi32> to vector<16xi32>
    %swap3A_744 = vector.shape_cast %add3A_740 : vector<16xi32> to vector<16xi32>
    tpu.vector_store %arg7[%swap3A_741], %swap3A_744 {strides = array<i32>} : memref<512xi32, #tpu.memory_space<vmem>>, vector<16xi32>,
    %get3A_745 = arith.constant 496 : index
    %get3A_746 = tpu.vector_load %arg5[%get3A_745] {strides = array<i32>} : memref<512xi32, #tpu.memory_space<vmem>>, vector<16xi32>,
    %get3A_747 = vector.shape_cast %get3A_746 : vector<16xi32> to vector<16xi32>
    %shift_right_arithmetic3A_748 = arith.constant 7 : i32
    %shift_right_arithmetic3A_749 = vector.broadcast %shift_right_arithmetic3A_748 : i32 to vector<16xi32>
    %shift_right_arithmetic3A_750 = arith.shrsi %get3A_747, %shift_right_arithmetic3A_749 : vector<16xi32>
    %shift_left3A_751 = arith.constant 8 : i32
    %shift_left3A_752 = vector.broadcast %shift_left3A_751 : i32 to vector<16xi32>
    %shift_left3A_753 = arith.shli %shift_right_arithmetic3A_750, %shift_left3A_752 : vector<16xi32>
    %and3A_754 = arith.constant 127 : i32
    %and3A_755 = vector.broadcast %and3A_754 : i32 to vector<16xi32>
    %and3A_756 = arith.andi %get3A_747, %and3A_755 : vector<16xi32>
    %add3A_757 = arith.addi %shift_left3A_753, %and3A_756 : vector<16xi32>
    %swap3A_758 = arith.constant 496 : index
    %swap3A_759 = tpu.vector_load %arg6[%swap3A_758] {strides = array<i32>} : memref<512xi32, #tpu.memory_space<vmem>>, vector<16xi32>,
    %swap3A_760 = vector.shape_cast %swap3A_759 : vector<16xi32> to vector<16xi32>
    %swap3A_761 = vector.shape_cast %add3A_757 : vector<16xi32> to vector<16xi32>
    tpu.vector_store %arg6[%swap3A_758], %swap3A_761 {strides = array<i32>} : memref<512xi32, #tpu.memory_space<vmem>>, vector<16xi32>,
    %add3A_762 = arith.constant 128 : i32
    %add3A_763 = vector.broadcast %add3A_762 : i32 to vector<16xi32>
    %add3A_764 = arith.addi %add3A_757, %add3A_763 : vector<16xi32>
    %swap3A_765 = arith.constant 496 : index
    %swap3A_766 = tpu.vector_load %arg7[%swap3A_765] {strides = array<i32>} : memref<512xi32, #tpu.memory_space<vmem>>, vector<16xi32>,
    %swap3A_767 = vector.shape_cast %swap3A_766 : vector<16xi32> to vector<16xi32>
    %swap3A_768 = vector.shape_cast %add3A_764 : vector<16xi32> to vector<16xi32>
    tpu.vector_store %arg7[%swap3A_765], %swap3A_768 {strides = array<i32>} : memref<512xi32, #tpu.memory_space<vmem>>, vector<16xi32>,
    %dma_wait3A = tpu.memref_slice %arg10[%mul3A_4] : memref<200704xf32, #tpu.memory_space<vmem_shared>> -> memref<12544xf32, #tpu.memory_space<vmem_shared>>
    %dma_wait3A_769 = tpu.memref_slice %arg3[%mul3A_2] : memref<200704xf32, #tpu.memory_space<hbm>> -> memref<12544xf32, #tpu.memory_space<hbm>>
    tpu.wait_dma2 semaphore(%arg12 : memref<!tpu.dma_semaphore, #tpu.memory_space<semaphore_mem>>) src(%dma_wait3A_769 : memref<12544xf32, #tpu.memory_space<hbm>>) dst(%dma_wait3A : memref<12544xf32, #tpu.memory_space<vmem_shared>>)
    %barrier3A = arith.constant 0 : index
    tpu.barrier barrier_id(%barrier3A)
    %dma_start3A_770 = arith.constant 0 : i32
    %dma_start3A_771 = tpu.memref_slice %arg10[%dma_start3A_770] : memref<200704xf32, #tpu.memory_space<vmem_shared>> -> memref<200704xf32, #tpu.memory_space<vmem_shared>>
    tpu.enqueue_indirect_dma source(%dma_start3A_771 : memref<200704xf32, #tpu.memory_space<vmem_shared>>) target(%arg8 : memref<512xf32, #tpu.memory_space<vmem>>) offsets(%arg6 : memref<512xi32, #tpu.memory_space<vmem>>) semaphore(%arg11 : memref<!tpu.dma_semaphore, #tpu.memory_space<semaphore_mem>>)
    %dma_start3A_772 = arith.constant 0 : i32
    %dma_start3A_773 = tpu.memref_slice %arg10[%dma_start3A_772] : memref<200704xf32, #tpu.memory_space<vmem_shared>> -> memref<200704xf32, #tpu.memory_space<vmem_shared>>
    tpu.enqueue_indirect_dma source(%dma_start3A_773 : memref<200704xf32, #tpu.memory_space<vmem_shared>>) target(%arg9 : memref<512xf32, #tpu.memory_space<vmem>>) offsets(%arg7 : memref<512xi32, #tpu.memory_space<vmem>>) semaphore(%arg13 : memref<!tpu.dma_semaphore, #tpu.memory_space<semaphore_mem>>)
    %dma_wait3A_774 = arith.constant 0 : i32
    %dma_wait3A_775 = tpu.memref_slice %arg10[%dma_wait3A_774] : memref<200704xf32, #tpu.memory_space<vmem_shared>> -> memref<200704xf32, #tpu.memory_space<vmem_shared>>
    tpu.wait_indirect_dma semaphore(%arg11 : memref<!tpu.dma_semaphore, #tpu.memory_space<semaphore_mem>>) src(%dma_wait3A_775 : memref<200704xf32, #tpu.memory_space<vmem_shared>>) dst(%arg8 : memref<512xf32, #tpu.memory_space<vmem>>)
    %mul3A_776 = arith.constant 4 : i32
    %mul3A_777 = arith.muli %add3A, %mul3A_776 : i32
    %add3A_778 = arith.constant 0 : i32
    %add3A_779 = arith.addi %mul3A_777, %add3A_778 : i32
    %dma_start3A_780 = arith.constant 0 : i32
    %dma_start3A_781 = arith.constant 0 : i32
    %dma_start3A_782 = tpu.memref_slice %arg8[%dma_start3A_781] : memref<512xf32, #tpu.memory_space<vmem>> -> memref<128xf32, #tpu.memory_space<vmem>>
    %dma_start3A_783 = arith.constant 0 : i32
    %dma_start3A_784 = tpu.memref_slice %arg4[%add3A_779, %dma_start3A_780, %dma_start3A_783] : memref<128x2x128xf32, #tpu.memory_space<hbm>> -> memref<1x1x128xf32, #tpu.memory_space<hbm>>
    %dma_start3A_785 = tpu.memref_squeeze %dma_start3A_784 : memref<1x1x128xf32, #tpu.memory_space<hbm>> -> memref<128xf32, #tpu.memory_space<hbm>>
    %dma_start3A_786 = arith.constant 0 : i32
    %dma_start3A_787 = tpu.memref_slice %arg4[%add3A_779, %dma_start3A_780, %dma_start3A_786] : memref<128x2x128xf32, #tpu.memory_space<hbm>> -> memref<1x1x128xf32, #tpu.memory_space<hbm>>
    %dma_start3A_788 = tpu.memref_squeeze %dma_start3A_787 : memref<1x1x128xf32, #tpu.memory_space<hbm>> -> memref<128xf32, #tpu.memory_space<hbm>>
    %dma_start3A_789 = arith.constant 0 : i32
    %dma_start3A_790 = tpu.memref_slice %arg8[%dma_start3A_789] : memref<512xf32, #tpu.memory_space<vmem>> -> memref<128xf32, #tpu.memory_space<vmem>>
    tpu.enqueue_dma source(%dma_start3A_790 : memref<128xf32, #tpu.memory_space<vmem>>) target(%dma_start3A_788 : memref<128xf32, #tpu.memory_space<hbm>>) target_semaphore(%arg11 : memref<!tpu.dma_semaphore, #tpu.memory_space<semaphore_mem>>)
    %mul3A_791 = arith.constant 4 : i32
    %mul3A_792 = arith.muli %add3A, %mul3A_791 : i32
    %add3A_793 = arith.constant 1 : i32
    %add3A_794 = arith.addi %mul3A_792, %add3A_793 : i32
    %dma_start3A_795 = arith.constant 0 : i32
    %dma_start3A_796 = arith.constant 128 : i32
    %dma_start3A_797 = tpu.memref_slice %arg8[%dma_start3A_796] : memref<512xf32, #tpu.memory_space<vmem>> -> memref<128xf32, #tpu.memory_space<vmem>>
    %dma_start3A_798 = arith.constant 0 : i32
    %dma_start3A_799 = tpu.memref_slice %arg4[%add3A_794, %dma_start3A_795, %dma_start3A_798] : memref<128x2x128xf32, #tpu.memory_space<hbm>> -> memref<1x1x128xf32, #tpu.memory_space<hbm>>
    %dma_start3A_800 = tpu.memref_squeeze %dma_start3A_799 : memref<1x1x128xf32, #tpu.memory_space<hbm>> -> memref<128xf32, #tpu.memory_space<hbm>>
    %dma_start3A_801 = arith.constant 0 : i32
    %dma_start3A_802 = tpu.memref_slice %arg4[%add3A_794, %dma_start3A_795, %dma_start3A_801] : memref<128x2x128xf32, #tpu.memory_space<hbm>> -> memref<1x1x128xf32, #tpu.memory_space<hbm>>
    %dma_start3A_803 = tpu.memref_squeeze %dma_start3A_802 : memref<1x1x128xf32, #tpu.memory_space<hbm>> -> memref<128xf32, #tpu.memory_space<hbm>>
    %dma_start3A_804 = arith.constant 128 : i32
    %dma_start3A_805 = tpu.memref_slice %arg8[%dma_start3A_804] : memref<512xf32, #tpu.memory_space<vmem>> -> memref<128xf32, #tpu.memory_space<vmem>>
    tpu.enqueue_dma source(%dma_start3A_805 : memref<128xf32, #tpu.memory_space<vmem>>) target(%dma_start3A_803 : memref<128xf32, #tpu.memory_space<hbm>>) target_semaphore(%arg11 : memref<!tpu.dma_semaphore, #tpu.memory_space<semaphore_mem>>)
    %mul3A_806 = arith.constant 4 : i32
    %mul3A_807 = arith.muli %add3A, %mul3A_806 : i32
    %add3A_808 = arith.constant 2 : i32
    %add3A_809 = arith.addi %mul3A_807, %add3A_808 : i32
    %dma_start3A_810 = arith.constant 0 : i32
    %dma_start3A_811 = arith.constant 256 : i32
    %dma_start3A_812 = tpu.memref_slice %arg8[%dma_start3A_811] : memref<512xf32, #tpu.memory_space<vmem>> -> memref<128xf32, #tpu.memory_space<vmem>>
    %dma_start3A_813 = arith.constant 0 : i32
    %dma_start3A_814 = tpu.memref_slice %arg4[%add3A_809, %dma_start3A_810, %dma_start3A_813] : memref<128x2x128xf32, #tpu.memory_space<hbm>> -> memref<1x1x128xf32, #tpu.memory_space<hbm>>
    %dma_start3A_815 = tpu.memref_squeeze %dma_start3A_814 : memref<1x1x128xf32, #tpu.memory_space<hbm>> -> memref<128xf32, #tpu.memory_space<hbm>>
    %dma_start3A_816 = arith.constant 0 : i32
    %dma_start3A_817 = tpu.memref_slice %arg4[%add3A_809, %dma_start3A_810, %dma_start3A_816] : memref<128x2x128xf32, #tpu.memory_space<hbm>> -> memref<1x1x128xf32, #tpu.memory_space<hbm>>
    %dma_start3A_818 = tpu.memref_squeeze %dma_start3A_817 : memref<1x1x128xf32, #tpu.memory_space<hbm>> -> memref<128xf32, #tpu.memory_space<hbm>>
    %dma_start3A_819 = arith.constant 256 : i32
    %dma_start3A_820 = tpu.memref_slice %arg8[%dma_start3A_819] : memref<512xf32, #tpu.memory_space<vmem>> -> memref<128xf32, #tpu.memory_space<vmem>>
    tpu.enqueue_dma source(%dma_start3A_820 : memref<128xf32, #tpu.memory_space<vmem>>) target(%dma_start3A_818 : memref<128xf32, #tpu.memory_space<hbm>>) target_semaphore(%arg11 : memref<!tpu.dma_semaphore, #tpu.memory_space<semaphore_mem>>)
    %mul3A_821 = arith.constant 4 : i32
    %mul3A_822 = arith.muli %add3A, %mul3A_821 : i32
    %add3A_823 = arith.constant 3 : i32
    %add3A_824 = arith.addi %mul3A_822, %add3A_823 : i32
    %dma_start3A_825 = arith.constant 0 : i32
    %dma_start3A_826 = arith.constant 384 : i32
    %dma_start3A_827 = tpu.memref_slice %arg8[%dma_start3A_826] : memref<512xf32, #tpu.memory_space<vmem>> -> memref<128xf32, #tpu.memory_space<vmem>>
    %dma_start3A_828 = arith.constant 0 : i32
    %dma_start3A_829 = tpu.memref_slice %arg4[%add3A_824, %dma_start3A_825, %dma_start3A_828] : memref<128x2x128xf32, #tpu.memory_space<hbm>> -> memref<1x1x128xf32, #tpu.memory_space<hbm>>
    %dma_start3A_830 = tpu.memref_squeeze %dma_start3A_829 : memref<1x1x128xf32, #tpu.memory_space<hbm>> -> memref<128xf32, #tpu.memory_space<hbm>>
    %dma_start3A_831 = arith.constant 0 : i32
    %dma_start3A_832 = tpu.memref_slice %arg4[%add3A_824, %dma_start3A_825, %dma_start3A_831] : memref<128x2x128xf32, #tpu.memory_space<hbm>> -> memref<1x1x128xf32, #tpu.memory_space<hbm>>
    %dma_start3A_833 = tpu.memref_squeeze %dma_start3A_832 : memref<1x1x128xf32, #tpu.memory_space<hbm>> -> memref<128xf32, #tpu.memory_space<hbm>>
    %dma_start3A_834 = arith.constant 384 : i32
    %dma_start3A_835 = tpu.memref_slice %arg8[%dma_start3A_834] : memref<512xf32, #tpu.memory_space<vmem>> -> memref<128xf32, #tpu.memory_space<vmem>>
    tpu.enqueue_dma source(%dma_start3A_835 : memref<128xf32, #tpu.memory_space<vmem>>) target(%dma_start3A_833 : memref<128xf32, #tpu.memory_space<hbm>>) target_semaphore(%arg11 : memref<!tpu.dma_semaphore, #tpu.memory_space<semaphore_mem>>)
    %dma_wait3A_836 = arith.constant 0 : i32
    %dma_wait3A_837 = tpu.memref_slice %arg10[%dma_wait3A_836] : memref<200704xf32, #tpu.memory_space<vmem_shared>> -> memref<200704xf32, #tpu.memory_space<vmem_shared>>
    tpu.wait_indirect_dma semaphore(%arg13 : memref<!tpu.dma_semaphore, #tpu.memory_space<semaphore_mem>>) src(%dma_wait3A_837 : memref<200704xf32, #tpu.memory_space<vmem_shared>>) dst(%arg9 : memref<512xf32, #tpu.memory_space<vmem>>)
    %mul3A_838 = arith.constant 4 : i32
    %mul3A_839 = arith.muli %add3A, %mul3A_838 : i32
    %add3A_840 = arith.constant 0 : i32
    %add3A_841 = arith.addi %mul3A_839, %add3A_840 : i32
    %dma_start3A_842 = arith.constant 1 : i32
    %dma_start3A_843 = arith.constant 0 : i32
    %dma_start3A_844 = tpu.memref_slice %arg9[%dma_start3A_843] : memref<512xf32, #tpu.memory_space<vmem>> -> memref<128xf32, #tpu.memory_space<vmem>>
    %dma_start3A_845 = arith.constant 0 : i32
    %dma_start3A_846 = tpu.memref_slice %arg4[%add3A_841, %dma_start3A_842, %dma_start3A_845] : memref<128x2x128xf32, #tpu.memory_space<hbm>> -> memref<1x1x128xf32, #tpu.memory_space<hbm>>
    %dma_start3A_847 = tpu.memref_squeeze %dma_start3A_846 : memref<1x1x128xf32, #tpu.memory_space<hbm>> -> memref<128xf32, #tpu.memory_space<hbm>>
    %dma_start3A_848 = arith.constant 0 : i32
    %dma_start3A_849 = tpu.memref_slice %arg4[%add3A_841, %dma_start3A_842, %dma_start3A_848] : memref<128x2x128xf32, #tpu.memory_space<hbm>> -> memref<1x1x128xf32, #tpu.memory_space<hbm>>
    %dma_start3A_850 = tpu.memref_squeeze %dma_start3A_849 : memref<1x1x128xf32, #tpu.memory_space<hbm>> -> memref<128xf32, #tpu.memory_space<hbm>>
    %dma_start3A_851 = arith.constant 0 : i32
    %dma_start3A_852 = tpu.memref_slice %arg9[%dma_start3A_851] : memref<512xf32, #tpu.memory_space<vmem>> -> memref<128xf32, #tpu.memory_space<vmem>>
    tpu.enqueue_dma source(%dma_start3A_852 : memref<128xf32, #tpu.memory_space<vmem>>) target(%dma_start3A_850 : memref<128xf32, #tpu.memory_space<hbm>>) target_semaphore(%arg13 : memref<!tpu.dma_semaphore, #tpu.memory_space<semaphore_mem>>)
    %mul3A_853 = arith.constant 4 : i32
    %mul3A_854 = arith.muli %add3A, %mul3A_853 : i32
    %add3A_855 = arith.constant 1 : i32
    %add3A_856 = arith.addi %mul3A_854, %add3A_855 : i32
    %dma_start3A_857 = arith.constant 1 : i32
    %dma_start3A_858 = arith.constant 128 : i32
    %dma_start3A_859 = tpu.memref_slice %arg9[%dma_start3A_858] : memref<512xf32, #tpu.memory_space<vmem>> -> memref<128xf32, #tpu.memory_space<vmem>>
    %dma_start3A_860 = arith.constant 0 : i32
    %dma_start3A_861 = tpu.memref_slice %arg4[%add3A_856, %dma_start3A_857, %dma_start3A_860] : memref<128x2x128xf32, #tpu.memory_space<hbm>> -> memref<1x1x128xf32, #tpu.memory_space<hbm>>
    %dma_start3A_862 = tpu.memref_squeeze %dma_start3A_861 : memref<1x1x128xf32, #tpu.memory_space<hbm>> -> memref<128xf32, #tpu.memory_space<hbm>>
    %dma_start3A_863 = arith.constant 0 : i32
    %dma_start3A_864 = tpu.memref_slice %arg4[%add3A_856, %dma_start3A_857, %dma_start3A_863] : memref<128x2x128xf32, #tpu.memory_space<hbm>> -> memref<1x1x128xf32, #tpu.memory_space<hbm>>
    %dma_start3A_865 = tpu.memref_squeeze %dma_start3A_864 : memref<1x1x128xf32, #tpu.memory_space<hbm>> -> memref<128xf32, #tpu.memory_space<hbm>>
    %dma_start3A_866 = arith.constant 128 : i32
    %dma_start3A_867 = tpu.memref_slice %arg9[%dma_start3A_866] : memref<512xf32, #tpu.memory_space<vmem>> -> memref<128xf32, #tpu.memory_space<vmem>>
    tpu.enqueue_dma source(%dma_start3A_867 : memref<128xf32, #tpu.memory_space<vmem>>) target(%dma_start3A_865 : memref<128xf32, #tpu.memory_space<hbm>>) target_semaphore(%arg13 : memref<!tpu.dma_semaphore, #tpu.memory_space<semaphore_mem>>)
    %mul3A_868 = arith.constant 4 : i32
    %mul3A_869 = arith.muli %add3A, %mul3A_868 : i32
    %add3A_870 = arith.constant 2 : i32
    %add3A_871 = arith.addi %mul3A_869, %add3A_870 : i32
    %dma_start3A_872 = arith.constant 1 : i32
    %dma_start3A_873 = arith.constant 256 : i32
    %dma_start3A_874 = tpu.memref_slice %arg9[%dma_start3A_873] : memref<512xf32, #tpu.memory_space<vmem>> -> memref<128xf32, #tpu.memory_space<vmem>>
    %dma_start3A_875 = arith.constant 0 : i32
    %dma_start3A_876 = tpu.memref_slice %arg4[%add3A_871, %dma_start3A_872, %dma_start3A_875] : memref<128x2x128xf32, #tpu.memory_space<hbm>> -> memref<1x1x128xf32, #tpu.memory_space<hbm>>
    %dma_start3A_877 = tpu.memref_squeeze %dma_start3A_876 : memref<1x1x128xf32, #tpu.memory_space<hbm>> -> memref<128xf32, #tpu.memory_space<hbm>>
    %dma_start3A_878 = arith.constant 0 : i32
    %dma_start3A_879 = tpu.memref_slice %arg4[%add3A_871, %dma_start3A_872, %dma_start3A_878] : memref<128x2x128xf32, #tpu.memory_space<hbm>> -> memref<1x1x128xf32, #tpu.memory_space<hbm>>
    %dma_start3A_880 = tpu.memref_squeeze %dma_start3A_879 : memref<1x1x128xf32, #tpu.memory_space<hbm>> -> memref<128xf32, #tpu.memory_space<hbm>>
    %dma_start3A_881 = arith.constant 256 : i32
    %dma_start3A_882 = tpu.memref_slice %arg9[%dma_start3A_881] : memref<512xf32, #tpu.memory_space<vmem>> -> memref<128xf32, #tpu.memory_space<vmem>>
    tpu.enqueue_dma source(%dma_start3A_882 : memref<128xf32, #tpu.memory_space<vmem>>) target(%dma_start3A_880 : memref<128xf32, #tpu.memory_space<hbm>>) target_semaphore(%arg13 : memref<!tpu.dma_semaphore, #tpu.memory_space<semaphore_mem>>)
    %mul3A_883 = arith.constant 4 : i32
    %mul3A_884 = arith.muli %add3A, %mul3A_883 : i32
    %add3A_885 = arith.constant 3 : i32
    %add3A_886 = arith.addi %mul3A_884, %add3A_885 : i32
    %dma_start3A_887 = arith.constant 1 : i32
    %dma_start3A_888 = arith.constant 384 : i32
    %dma_start3A_889 = tpu.memref_slice %arg9[%dma_start3A_888] : memref<512xf32, #tpu.memory_space<vmem>> -> memref<128xf32, #tpu.memory_space<vmem>>
    %dma_start3A_890 = arith.constant 0 : i32
    %dma_start3A_891 = tpu.memref_slice %arg4[%add3A_886, %dma_start3A_887, %dma_start3A_890] : memref<128x2x128xf32, #tpu.memory_space<hbm>> -> memref<1x1x128xf32, #tpu.memory_space<hbm>>
    %dma_start3A_892 = tpu.memref_squeeze %dma_start3A_891 : memref<1x1x128xf32, #tpu.memory_space<hbm>> -> memref<128xf32, #tpu.memory_space<hbm>>
    %dma_start3A_893 = arith.constant 0 : i32
    %dma_start3A_894 = tpu.memref_slice %arg4[%add3A_886, %dma_start3A_887, %dma_start3A_893] : memref<128x2x128xf32, #tpu.memory_space<hbm>> -> memref<1x1x128xf32, #tpu.memory_space<hbm>>
    %dma_start3A_895 = tpu.memref_squeeze %dma_start3A_894 : memref<1x1x128xf32, #tpu.memory_space<hbm>> -> memref<128xf32, #tpu.memory_space<hbm>>
    %dma_start3A_896 = arith.constant 384 : i32
    %dma_start3A_897 = tpu.memref_slice %arg9[%dma_start3A_896] : memref<512xf32, #tpu.memory_space<vmem>> -> memref<128xf32, #tpu.memory_space<vmem>>
    tpu.enqueue_dma source(%dma_start3A_897 : memref<128xf32, #tpu.memory_space<vmem>>) target(%dma_start3A_895 : memref<128xf32, #tpu.memory_space<hbm>>) target_semaphore(%arg13 : memref<!tpu.dma_semaphore, #tpu.memory_space<semaphore_mem>>)
    %dma_wait3A_898 = arith.constant 0 : i32
    %dma_wait3A_899 = arith.constant 0 : i32
    %dma_wait3A_900 = tpu.memref_slice %arg8[%dma_wait3A_899] : memref<512xf32, #tpu.memory_space<vmem>> -> memref<128xf32, #tpu.memory_space<vmem>>
    %dma_wait3A_901 = arith.constant 0 : i32
    %dma_wait3A_902 = tpu.memref_slice %arg4[%add3A_779, %dma_wait3A_898, %dma_wait3A_901] : memref<128x2x128xf32, #tpu.memory_space<hbm>> -> memref<1x1x128xf32, #tpu.memory_space<hbm>>
    %dma_wait3A_903 = tpu.memref_squeeze %dma_wait3A_902 : memref<1x1x128xf32, #tpu.memory_space<hbm>> -> memref<128xf32, #tpu.memory_space<hbm>>
    %dma_wait3A_904 = arith.constant 0 : i32
    %dma_wait3A_905 = tpu.memref_slice %arg4[%add3A_779, %dma_wait3A_898, %dma_wait3A_904] : memref<128x2x128xf32, #tpu.memory_space<hbm>> -> memref<1x1x128xf32, #tpu.memory_space<hbm>>
    %dma_wait3A_906 = tpu.memref_squeeze %dma_wait3A_905 : memref<1x1x128xf32, #tpu.memory_space<hbm>> -> memref<128xf32, #tpu.memory_space<hbm>>
    %dma_wait3A_907 = arith.constant 0 : i32
    %dma_wait3A_908 = tpu.memref_slice %arg8[%dma_wait3A_907] : memref<512xf32, #tpu.memory_space<vmem>> -> memref<128xf32, #tpu.memory_space<vmem>>
    tpu.wait_dma2 semaphore(%arg11 : memref<!tpu.dma_semaphore, #tpu.memory_space<semaphore_mem>>) src(%dma_wait3A_908 : memref<128xf32, #tpu.memory_space<vmem>>) dst(%dma_wait3A_906 : memref<128xf32, #tpu.memory_space<hbm>>)
    %dma_wait3A_909 = arith.constant 0 : i32
    %dma_wait3A_910 = arith.constant 128 : i32
    %dma_wait3A_911 = tpu.memref_slice %arg8[%dma_wait3A_910] : memref<512xf32, #tpu.memory_space<vmem>> -> memref<128xf32, #tpu.memory_space<vmem>>
    %dma_wait3A_912 = arith.constant 0 : i32
    %dma_wait3A_913 = tpu.memref_slice %arg4[%add3A_794, %dma_wait3A_909, %dma_wait3A_912] : memref<128x2x128xf32, #tpu.memory_space<hbm>> -> memref<1x1x128xf32, #tpu.memory_space<hbm>>
    %dma_wait3A_914 = tpu.memref_squeeze %dma_wait3A_913 : memref<1x1x128xf32, #tpu.memory_space<hbm>> -> memref<128xf32, #tpu.memory_space<hbm>>
    %dma_wait3A_915 = arith.constant 0 : i32
    %dma_wait3A_916 = tpu.memref_slice %arg4[%add3A_794, %dma_wait3A_909, %dma_wait3A_915] : memref<128x2x128xf32, #tpu.memory_space<hbm>> -> memref<1x1x128xf32, #tpu.memory_space<hbm>>
    %dma_wait3A_917 = tpu.memref_squeeze %dma_wait3A_916 : memref<1x1x128xf32, #tpu.memory_space<hbm>> -> memref<128xf32, #tpu.memory_space<hbm>>
    %dma_wait3A_918 = arith.constant 128 : i32
    %dma_wait3A_919 = tpu.memref_slice %arg8[%dma_wait3A_918] : memref<512xf32, #tpu.memory_space<vmem>> -> memref<128xf32, #tpu.memory_space<vmem>>
    tpu.wait_dma2 semaphore(%arg11 : memref<!tpu.dma_semaphore, #tpu.memory_space<semaphore_mem>>) src(%dma_wait3A_919 : memref<128xf32, #tpu.memory_space<vmem>>) dst(%dma_wait3A_917 : memref<128xf32, #tpu.memory_space<hbm>>)
    %dma_wait3A_920 = arith.constant 0 : i32
    %dma_wait3A_921 = arith.constant 256 : i32
    %dma_wait3A_922 = tpu.memref_slice %arg8[%dma_wait3A_921] : memref<512xf32, #tpu.memory_space<vmem>> -> memref<128xf32, #tpu.memory_space<vmem>>
    %dma_wait3A_923 = arith.constant 0 : i32
    %dma_wait3A_924 = tpu.memref_slice %arg4[%add3A_809, %dma_wait3A_920, %dma_wait3A_923] : memref<128x2x128xf32, #tpu.memory_space<hbm>> -> memref<1x1x128xf32, #tpu.memory_space<hbm>>
    %dma_wait3A_925 = tpu.memref_squeeze %dma_wait3A_924 : memref<1x1x128xf32, #tpu.memory_space<hbm>> -> memref<128xf32, #tpu.memory_space<hbm>>
    %dma_wait3A_926 = arith.constant 0 : i32
    %dma_wait3A_927 = tpu.memref_slice %arg4[%add3A_809, %dma_wait3A_920, %dma_wait3A_926] : memref<128x2x128xf32, #tpu.memory_space<hbm>> -> memref<1x1x128xf32, #tpu.memory_space<hbm>>
    %dma_wait3A_928 = tpu.memref_squeeze %dma_wait3A_927 : memref<1x1x128xf32, #tpu.memory_space<hbm>> -> memref<128xf32, #tpu.memory_space<hbm>>
    %dma_wait3A_929 = arith.constant 256 : i32
    %dma_wait3A_930 = tpu.memref_slice %arg8[%dma_wait3A_929] : memref<512xf32, #tpu.memory_space<vmem>> -> memref<128xf32, #tpu.memory_space<vmem>>
    tpu.wait_dma2 semaphore(%arg11 : memref<!tpu.dma_semaphore, #tpu.memory_space<semaphore_mem>>) src(%dma_wait3A_930 : memref<128xf32, #tpu.memory_space<vmem>>) dst(%dma_wait3A_928 : memref<128xf32, #tpu.memory_space<hbm>>)
    %dma_wait3A_931 = arith.constant 0 : i32
    %dma_wait3A_932 = arith.constant 384 : i32
    %dma_wait3A_933 = tpu.memref_slice %arg8[%dma_wait3A_932] : memref<512xf32, #tpu.memory_space<vmem>> -> memref<128xf32, #tpu.memory_space<vmem>>
    %dma_wait3A_934 = arith.constant 0 : i32
    %dma_wait3A_935 = tpu.memref_slice %arg4[%add3A_824, %dma_wait3A_931, %dma_wait3A_934] : memref<128x2x128xf32, #tpu.memory_space<hbm>> -> memref<1x1x128xf32, #tpu.memory_space<hbm>>
    %dma_wait3A_936 = tpu.memref_squeeze %dma_wait3A_935 : memref<1x1x128xf32, #tpu.memory_space<hbm>> -> memref<128xf32, #tpu.memory_space<hbm>>
    %dma_wait3A_937 = arith.constant 0 : i32
    %dma_wait3A_938 = tpu.memref_slice %arg4[%add3A_824, %dma_wait3A_931, %dma_wait3A_937] : memref<128x2x128xf32, #tpu.memory_space<hbm>> -> memref<1x1x128xf32, #tpu.memory_space<hbm>>
    %dma_wait3A_939 = tpu.memref_squeeze %dma_wait3A_938 : memref<1x1x128xf32, #tpu.memory_space<hbm>> -> memref<128xf32, #tpu.memory_space<hbm>>
    %dma_wait3A_940 = arith.constant 384 : i32
    %dma_wait3A_941 = tpu.memref_slice %arg8[%dma_wait3A_940] : memref<512xf32, #tpu.memory_space<vmem>> -> memref<128xf32, #tpu.memory_space<vmem>>
    tpu.wait_dma2 semaphore(%arg11 : memref<!tpu.dma_semaphore, #tpu.memory_space<semaphore_mem>>) src(%dma_wait3A_941 : memref<128xf32, #tpu.memory_space<vmem>>) dst(%dma_wait3A_939 : memref<128xf32, #tpu.memory_space<hbm>>)
    %dma_wait3A_942 = arith.constant 1 : i32
    %dma_wait3A_943 = arith.constant 0 : i32
    %dma_wait3A_944 = tpu.memref_slice %arg9[%dma_wait3A_943] : memref<512xf32, #tpu.memory_space<vmem>> -> memref<128xf32, #tpu.memory_space<vmem>>
    %dma_wait3A_945 = arith.constant 0 : i32
    %dma_wait3A_946 = tpu.memref_slice %arg4[%add3A_841, %dma_wait3A_942, %dma_wait3A_945] : memref<128x2x128xf32, #tpu.memory_space<hbm>> -> memref<1x1x128xf32, #tpu.memory_space<hbm>>
    %dma_wait3A_947 = tpu.memref_squeeze %dma_wait3A_946 : memref<1x1x128xf32, #tpu.memory_space<hbm>> -> memref<128xf32, #tpu.memory_space<hbm>>
    %dma_wait3A_948 = arith.constant 0 : i32
    %dma_wait3A_949 = tpu.memref_slice %arg4[%add3A_841, %dma_wait3A_942, %dma_wait3A_948] : memref<128x2x128xf32, #tpu.memory_space<hbm>> -> memref<1x1x128xf32, #tpu.memory_space<hbm>>
    %dma_wait3A_950 = tpu.memref_squeeze %dma_wait3A_949 : memref<1x1x128xf32, #tpu.memory_space<hbm>> -> memref<128xf32, #tpu.memory_space<hbm>>
    %dma_wait3A_951 = arith.constant 0 : i32
    %dma_wait3A_952 = tpu.memref_slice %arg9[%dma_wait3A_951] : memref<512xf32, #tpu.memory_space<vmem>> -> memref<128xf32, #tpu.memory_space<vmem>>
    tpu.wait_dma2 semaphore(%arg13 : memref<!tpu.dma_semaphore, #tpu.memory_space<semaphore_mem>>) src(%dma_wait3A_952 : memref<128xf32, #tpu.memory_space<vmem>>) dst(%dma_wait3A_950 : memref<128xf32, #tpu.memory_space<hbm>>)
    %dma_wait3A_953 = arith.constant 1 : i32
    %dma_wait3A_954 = arith.constant 128 : i32
    %dma_wait3A_955 = tpu.memref_slice %arg9[%dma_wait3A_954] : memref<512xf32, #tpu.memory_space<vmem>> -> memref<128xf32, #tpu.memory_space<vmem>>
    %dma_wait3A_956 = arith.constant 0 : i32
    %dma_wait3A_957 = tpu.memref_slice %arg4[%add3A_856, %dma_wait3A_953, %dma_wait3A_956] : memref<128x2x128xf32, #tpu.memory_space<hbm>> -> memref<1x1x128xf32, #tpu.memory_space<hbm>>
    %dma_wait3A_958 = tpu.memref_squeeze %dma_wait3A_957 : memref<1x1x128xf32, #tpu.memory_space<hbm>> -> memref<128xf32, #tpu.memory_space<hbm>>
    %dma_wait3A_959 = arith.constant 0 : i32
    %dma_wait3A_960 = tpu.memref_slice %arg4[%add3A_856, %dma_wait3A_953, %dma_wait3A_959] : memref<128x2x128xf32, #tpu.memory_space<hbm>> -> memref<1x1x128xf32, #tpu.memory_space<hbm>>
    %dma_wait3A_961 = tpu.memref_squeeze %dma_wait3A_960 : memref<1x1x128xf32, #tpu.memory_space<hbm>> -> memref<128xf32, #tpu.memory_space<hbm>>
    %dma_wait3A_962 = arith.constant 128 : i32
    %dma_wait3A_963 = tpu.memref_slice %arg9[%dma_wait3A_962] : memref<512xf32, #tpu.memory_space<vmem>> -> memref<128xf32, #tpu.memory_space<vmem>>
    tpu.wait_dma2 semaphore(%arg13 : memref<!tpu.dma_semaphore, #tpu.memory_space<semaphore_mem>>) src(%dma_wait3A_963 : memref<128xf32, #tpu.memory_space<vmem>>) dst(%dma_wait3A_961 : memref<128xf32, #tpu.memory_space<hbm>>)
    %dma_wait3A_964 = arith.constant 1 : i32
    %dma_wait3A_965 = arith.constant 256 : i32
    %dma_wait3A_966 = tpu.memref_slice %arg9[%dma_wait3A_965] : memref<512xf32, #tpu.memory_space<vmem>> -> memref<128xf32, #tpu.memory_space<vmem>>
    %dma_wait3A_967 = arith.constant 0 : i32
    %dma_wait3A_968 = tpu.memref_slice %arg4[%add3A_871, %dma_wait3A_964, %dma_wait3A_967] : memref<128x2x128xf32, #tpu.memory_space<hbm>> -> memref<1x1x128xf32, #tpu.memory_space<hbm>>
    %dma_wait3A_969 = tpu.memref_squeeze %dma_wait3A_968 : memref<1x1x128xf32, #tpu.memory_space<hbm>> -> memref<128xf32, #tpu.memory_space<hbm>>
    %dma_wait3A_970 = arith.constant 0 : i32
    %dma_wait3A_971 = tpu.memref_slice %arg4[%add3A_871, %dma_wait3A_964, %dma_wait3A_970] : memref<128x2x128xf32, #tpu.memory_space<hbm>> -> memref<1x1x128xf32, #tpu.memory_space<hbm>>
    %dma_wait3A_972 = tpu.memref_squeeze %dma_wait3A_971 : memref<1x1x128xf32, #tpu.memory_space<hbm>> -> memref<128xf32, #tpu.memory_space<hbm>>
    %dma_wait3A_973 = arith.constant 256 : i32
    %dma_wait3A_974 = tpu.memref_slice %arg9[%dma_wait3A_973] : memref<512xf32, #tpu.memory_space<vmem>> -> memref<128xf32, #tpu.memory_space<vmem>>
    tpu.wait_dma2 semaphore(%arg13 : memref<!tpu.dma_semaphore, #tpu.memory_space<semaphore_mem>>) src(%dma_wait3A_974 : memref<128xf32, #tpu.memory_space<vmem>>) dst(%dma_wait3A_972 : memref<128xf32, #tpu.memory_space<hbm>>)
    %dma_wait3A_975 = arith.constant 1 : i32
    %dma_wait3A_976 = arith.constant 384 : i32
    %dma_wait3A_977 = tpu.memref_slice %arg9[%dma_wait3A_976] : memref<512xf32, #tpu.memory_space<vmem>> -> memref<128xf32, #tpu.memory_space<vmem>>
    %dma_wait3A_978 = arith.constant 0 : i32
    %dma_wait3A_979 = tpu.memref_slice %arg4[%add3A_886, %dma_wait3A_975, %dma_wait3A_978] : memref<128x2x128xf32, #tpu.memory_space<hbm>> -> memref<1x1x128xf32, #tpu.memory_space<hbm>>
    %dma_wait3A_980 = tpu.memref_squeeze %dma_wait3A_979 : memref<1x1x128xf32, #tpu.memory_space<hbm>> -> memref<128xf32, #tpu.memory_space<hbm>>
    %dma_wait3A_981 = arith.constant 0 : i32
    %dma_wait3A_982 = tpu.memref_slice %arg4[%add3A_886, %dma_wait3A_975, %dma_wait3A_981] : memref<128x2x128xf32, #tpu.memory_space<hbm>> -> memref<1x1x128xf32, #tpu.memory_space<hbm>>
    %dma_wait3A_983 = tpu.memref_squeeze %dma_wait3A_982 : memref<1x1x128xf32, #tpu.memory_space<hbm>> -> memref<128xf32, #tpu.memory_space<hbm>>
    %dma_wait3A_984 = arith.constant 384 : i32
    %dma_wait3A_985 = tpu.memref_slice %arg9[%dma_wait3A_984] : memref<512xf32, #tpu.memory_space<vmem>> -> memref<128xf32, #tpu.memory_space<vmem>>
    tpu.wait_dma2 semaphore(%arg13 : memref<!tpu.dma_semaphore, #tpu.memory_space<semaphore_mem>>) src(%dma_wait3A_985 : memref<128xf32, #tpu.memory_space<vmem>>) dst(%dma_wait3A_983 : memref<128xf32, #tpu.memory_space<hbm>>)
    return
  }
}

</mosaic_0001>

<sc_bundles>
// kernel: _lookup.3.cloned.1.call-start
scs
__scs_entry_jumppad:
0x0: {  	(pc) =	sbr.rel $0x88, $3  }
0x1: {  	(tag) =	ssettag $0x0;
	lr =	simm.s32 $0x1  }
0x2: {  	[smem:$0x3F9F] =	sst lr;
	_ =	strace $0xD0000000  }
0x3: {  	_ = 	snop  }
0x4: {  	_ = 	snop  }
0x5: {  	_ = 	snop  }
0x6: {  	_ = 	snop  }
0x7: {  	_ = 	snop  }
__scs_overlays_trampoline_lowered:
0x8: {  	[smem:$0x3FAE] =	sst s0  }
0x9: {  	[smem:$0x3FAF] =	sst s1  }
0xa: {  	[smem:$0x3FB0] =	sst s2  }
0xb: {  	[smem:$0x3FB1] =	sst s3  }
0xc: {  	[smem:$0x3FB2] =	sst s4  }
0xd: {  	[smem:$0x3FB3] =	sst s5  }
0xe: {  	[smem:$0x3FB4] =	sst s6  }
0xf: {  	[smem:$0x3FB5] =	sst s7  }
0x10: {  	[smem:$0x3FB6] =	sst s8  }
0x11: {  	[smem:$0x3FB7] =	sst s9;
	s0 =	simm.s32 @!p0 $0x0  }
0x12: {  	s1 =	sld [smem:$0x3F9D];
	s0 =	simm.s32 @p0 $0x1  }
0x13: {  	[smem:$0x3FB8] =	sst s0;
	s0 =	simm.s32 @!p1 $0x0  }
0x14: {  	s2 =	sld [smem:$0x3F9C];
	s0 =	simm.s32 @p1 $0x1  }
0x15: {  	[smem:$0x3FB9] =	sst s0;
	s0 =	simm.s32 @!p2 $0x0  }
0x16: {  	s3 =	sld [smem:$0x3FDB];
	s0 =	simm.s32 @p2 $0x1  }
0x17: {  	s4 =	simm.s32 $0x1BF5;
	[smem:$0x3FBB] =	sst s0  }
0x18: {  	s0 =	sld [smem:$0x3F9E];
	_ =	swait.ge [sflag:s4], $0x0  }
0x19: {  	s7 =	sld [smem:$0x3F9F]  }
0x1a: {  	s8 =	sadd.s32 $0xFFFFE003, lr  }
0x1b: {  	s9 =	sadd.s32 $0xFFFFFEF7, lr;
	s5 =	simm.s32 $0xFFFFFFFF;
	p2 =	slt.u32 s8, $0xFFFFF086  }
0x1c: {  	p1 =	slt.u32 s9, $0xF7A;
	s5 =	simm.s32 @!p2 $0x0  }
0x1d: {  	s5 =	simm.s32 @p1 $0x1;
	p0 =	seq.s32 s7, s2  }
0x1e: {  	s7 =	smul.u32 @!p0 $0xF7A, s2;
	p2 =	seq.s32 @!p0 s5, $0x0  }
0x1f: {  	s9 =	smul.u32 $0xF7A, s1;
	s8 =	simm.s32 @!p0 $0x1BF5;
	p2 =	por !p2, p0  }
0x20: {  	[sflag:s8] =	ssyncset.s32 @!p0 $0xFFFFF086;
	s6 =	sadd.s32 @!p0 s3, s7;
	s7 =	simm.s32 @!p0 $0x108  }
0x21: {  	s3 =	sadd.s32 s3, s9;
	s6 =	sadd.s32 @!p0 $0x88, s6;
	s7 =	simm.s32 @p2 $0x1082  }
0x22: {  	[simem:s7], [sflag:s8] =	dma.local @!p0 [hbm:s6], $0xF7A  }
0x23: {  	s9 =	sor.u32 $0xD0000000, s2;
	s6 =	simm.s32 $0x108;
	_ =	swait.ge @!p0 [sflag:s8], $0x0  }
0x24: {  	s3 =	sadd.s32 $0x88, s3;
	s6 =	simm.s32 @!p1 $0x1082;
	[sflag:s4] =	ssyncset.s32 $0xFFFFF086  }
0x25: {  	[simem:s6], [sflag:s4] =	dma.local [hbm:s3], $0xF7A  }
0x26: {  	[smem:$0x3F9F] =	sst s1;
	(tag) =	ssettag s2;
	_ =	strace s9  }
0x27: {  	s1 =	sld [smem:$0x3FAF]  }
0x28: {  	s2 =	sld [smem:$0x3FB0]  }
0x29: {  	s4 =	sld [smem:$0x3FB2]  }
0x2a: {  	p0 =	seq.s32 s5, $0x0;
	s5 =	sld [smem:$0x3FB3]  }
0x2b: {  	s6 =	sld [smem:$0x3FB4]  }
0x2c: {  	s7 =	sld [smem:$0x3FB5]  }
0x2d: {  	s3 =	simm.s32 $0x108;
	s8 =	sld [smem:$0x3FB6]  }
0x2e: {  	s3 =	simm.s32 @!p0 $0x1082;
	s9 =	sld [smem:$0x3FB7]  }
0x2f: {  	lr =	sadd.s32 s0, s3;
	s0 =	sld [smem:$0x3FAE]  }
0x30: {  	s3 =	sld [smem:$0x3FB1]  }
0x31: {  	[smem:$0x3FBA] =	sst s10  }
0x32: {  	s10 =	sld [smem:$0x3FB8];
	_ =	sdelay $0x3  }
0x33: {  	p0 =	seq.s32 s10, $0x1;
	s10 =	sld [smem:$0x3FBA];
	_ =	sdelay $0x3  }
0x34: {  	[smem:$0x3FBA] =	sst s10  }
0x35: {  	s10 =	sld [smem:$0x3FB9];
	_ =	sdelay $0x3  }
0x36: {  	p1 =	seq.s32 s10, $0x1;
	s10 =	sld [smem:$0x3FBA];
	_ =	sdelay $0x3  }
0x37: {  	[smem:$0x3FBA] =	sst s10  }
0x38: {  	s10 =	sld [smem:$0x3FBB]  }
0x39: {  	_ = 	snop;
	(pc) =	sbr.ind lr, $3  }
0x3a: {  	_ = 	snop  }
0x3b: {  	_ = 	snop  }
0x3c: {  	p2 =	seq.s32 s10, $0x1;
	s10 =	sld [smem:$0x3FBA]  }
0x3d: {  	_ =	shalt  }
0x3e: {  	_ =	shalt  }
0x3f: {  	_ =	shalt  }
0x40: {  	_ =	shalt  }
0x41: {  	_ =	shalt  }
0x42: {  	_ =	shalt  }
0x43: {  	_ =	shalt  }
0x44: {  	_ =	shalt  }
0x45: {  	_ =	shalt  }
0x46: {  	_ =	shalt  }
0x47: {  	_ =	shalt  }
0x48: {  	_ =	shalt  }
0x49: {  	_ =	shalt  }
0x4a: {  	_ =	shalt  }
0x4b: {  	_ =	shalt  }
0x4c: {  	_ =	shalt  }
0x4d: {  	_ =	shalt  }
0x4e: {  	_ =	shalt  }
0x4f: {  	_ =	shalt  }
0x50: {  	_ =	shalt  }
0x51: {  	_ =	shalt  }
0x52: {  	_ =	shalt  }
0x53: {  	_ =	shalt  }
0x54: {  	_ =	shalt  }
0x55: {  	_ =	shalt  }
0x56: {  	_ =	shalt  }
0x57: {  	_ =	shalt  }
0x58: {  	_ =	shalt  }
0x59: {  	_ =	shalt  }
0x5a: {  	_ =	shalt  }
0x5b: {  	_ =	shalt  }
0x5c: {  	_ =	shalt  }
0x5d: {  	_ =	shalt  }
0x5e: {  	_ =	shalt  }
0x5f: {  	_ =	shalt  }
0x60: {  	_ =	shalt  }
0x61: {  	_ =	shalt  }
0x62: {  	_ =	shalt  }
0x63: {  	_ =	shalt  }
0x64: {  	_ =	shalt  }
0x65: {  	_ =	shalt  }
0x66: {  	_ =	shalt  }
0x67: {  	_ =	shalt  }
0x68: {  	_ =	shalt  }
0x69: {  	_ =	shalt  }
0x6a: {  	_ =	shalt  }
0x6b: {  	_ =	shalt  }
0x6c: {  	_ =	shalt  }
0x6d: {  	_ =	shalt  }
0x6e: {  	_ =	shalt  }
0x6f: {  	_ =	shalt  }
0x70: {  	_ =	shalt  }
0x71: {  	_ =	shalt  }
0x72: {  	_ =	shalt  }
0x73: {  	_ =	shalt  }
0x74: {  	_ =	shalt  }
0x75: {  	_ =	shalt  }
0x76: {  	_ =	shalt  }
0x77: {  	_ =	shalt  }
0x78: {  	_ =	shalt  }
0x79: {  	_ =	shalt  }
0x7a: {  	_ =	shalt  }
0x7b: {  	_ =	shalt  }
0x7c: {  	_ =	shalt  }
0x7d: {  	_ =	shalt  }
0x7e: {  	_ =	shalt  }
0x7f: {  	_ =	shalt  }
0x80: {  	_ =	shalt  }
0x81: {  	_ =	shalt  }
0x82: {  	_ =	shalt  }
0x83: {  	_ =	shalt  }
0x84: {  	_ =	shalt  }
0x85: {  	_ =	shalt  }
0x86: {  	_ =	shalt  }
0x87: {  	_ =	shalt  }
.Lfunc_end0:
.L_simem_size_0:
called_computation_lowered:
.L_overlay_start_0:
0x88: {  	s2 =	sld [smem:$0x3FD9]  }
0x89: {  	s3 =	sld [smem:$0x3FFE];
	_ =	sdelay $0x1  }
0x8a: {  	s1 =	srdreg.scid  }
0x8b: {  	s0 =	sand.u32 $0x1, s1  }
0x8c: {  	s17 =	sshll.u32 s0, $0xA;
	s2 =	sadd.s32 s3, s2  }
0x8d: {  	s2 =	sadd.s32 s2, s17  }
0x8e: {  	[smem:$0x3FC6] =	sst s2  }
0x8f: {  	_ = 	snop  }
0x90: {  	s2 =	sld [smem:$0x3FC9]  }
0x91: {  	s18 =	sld [smem:$0x3FD0];
	(tm) =	ssettm $0x1  }
0x92: {  	s4 =	sld [smem:$0x3FFB];
	_ =	sdelay $0x3  }
0x93: {  	_ =	strace s4  }
0x94: {  	s4 =	sld [smem:$0x3FFC];
	_ =	sdelay $0x3  }
0x95: {  	_ =	strace s4  }
0x96: {  	s4 =	sld [smem:$0x3FFD];
	_ =	sdelay $0x3  }
0x97: {  	_ =	strace s4  }
0x98: {  	_ =	strace $0x8FFFFFFF  }
0x99: {  	s19 =	sld [smem:$0x3FDB];
	_ =	sdelay $0x1  }
0x9a: {  	s5 =	simm.s32 $_scs_section_size  }
0x9b: {  	s6 =	simm.s32 $_size__tile_overlayer_lowered;
	s7 =	simm.s32 $_tile_overlayer_lowered  }
0x9c: {  	s22 =	simm.s32 $0x1BFF;
	s21 =	sshll.u32 s7, $0x1;
	s4 =	sadd.s32 s5, s19  }
0x9d: {  	s8 =	simm.s32 $0x0;
	s20 =	sshll.u32 s6, $0x1;
	s6 =	sadd.s32 s21, s4  }
0x9e: {  	[timem:s8], [sflag:s22] =	dma.local [hbm:s6], s20  }
0x9f: {  	_ =	swait.ge [sflag:s22], s20  }
0xa0: {  	s5 =	ssub.s32 $0x0, s20;
	[sflag:s22] =	ssyncset.done $0x0  }
0xa1: {  	[sflag:s22] =	ssyncadd.s32 s5;
	_ =	sdelay $0x1  }
0xa2: {  	s23 =	simm.s32 $0x1B8B  }
0xa3: {  	_ =	swait.ge [sflag:s23], $0x1  }
0xa4: {  	[sflag:s23] =	ssyncset.done $0x0  }
0xa5: {  	s25 =	simm.s32 $0x1B8E;
	s24 =	sld [smem:$0x3FFE];
	[sflag:s23] =	ssyncadd.s32 $0xFFFFFFFF  }
0xa6: {  	s26 =	simm.s32 $execute0_lowered;
	[smem:$0x3FD2] =	sst s25  }
0xa7: {  	s6 =	sshll.u32 s26, $0x1;
	_ =	strace $0x80000046;
	[dreg:$0x1] =	wrdreg $0xFFFFFFFF  }
0xa8: {  	s28 =	simm.s32 $_size_execute0_lowered;
	s4 =	sadd.s32 s4, s6;
	[dreg:$0x0] =	wrdreg $0x0  }
0xa9: {  	s6 =	sshll.u32 s28, $0x1;
	[dreg:$0x2] =	wrdreg s4  }
0xaa: {  	[dreg:$0x3] =	wrdreg s6  }
0xab: {  	[dreg:$0x4] =	wrdreg $0xC0  }
0xac: {  	_ =	task [dreg:s8], $0x5FFFF  }
0xad: {  	[dreg:$0x1] =	wrdreg $0xFFFFFFFF  }
0xae: {  	[dreg:$0x0] =	wrdreg $0x60  }
0xaf: {  	[dreg:$0x2] =	wrdreg s2  }
0xb0: {  	[dreg:$0x3] =	wrdreg s24  }
0xb1: {  	[dreg:$0x4] =	wrdreg s18  }
0xb2: {  	[dreg:$0x5] =	wrdreg $0xA000  }
0xb3: {  	[dreg:$0x6] =	wrdreg $0x9  }
0xb4: {  	_ =	task.clear_ibuf [dreg:s8], $0x7FFFF;
	_ =	strace $0x90000046  }
0xb5: {  	s29 =	simm.s32 $0x9;
	_ =	strace $0x80000048  }
0xb6: {  	_ =	swait.ge [sflag:s29], $0x1  }
0xb7: {  	[sflag:s29] =	ssyncadd.s32 $0xFFFFFFFF  }
0xb8: {  	_ =	strace $0x90000048  }
0xb9: {  	_ =	sfence  }
0xba: {  	s30 =	sld [smem:$0x0];
	_ =	sdelay $0x2  }
0xbb: {  	s31 =	sshll.u32 s1, $0xD;
	s1 =	sshrl.u32 s1, $0x2  }
0xbc: {  	s3 =	sand.u32 $0x4000, s31;
	s1 =	sadd.s32 s1, s30  }
0xbd: {  	s0 =	sor.u32 s3, s0;
	s1 =	sshll.u32 s1, $0x11  }
0xbe: {  	s0 =	sor.u32 s1, s0  }
0xbf: {  	s0 =	sadd.s32 $0x8F2B, s0  }
0xc0: {  	[sflag:s0] =	ssyncadd.remote.s32 $0x1  }
0xc1: {  	_ =	sfence.sel $0xFFFF  }
0xc2: {  	[dreg:$0x0] =	wrdreg $0xFFFFFFFF;
	(pc) =	sbr.abs _section_cstart, $3  }
0xc3: {  	[dreg:$0x1] =	wrdreg $0xFFFFFFFF  }
0xc4: {  	_ =	task.clear_ibuf [dreg:s8], $0x2FFFF;
	_ =	strace $0x9FFFFFFF  }
0xc5: {  	(tm) =	ssettm $0x7FFFFFFF  }
tec
execute0_lowered:
.L_overlay_start_1:
0x0: {  	(tag) =	ssettag $0x1  }
0x1: {  	s7 =	rddreg [dreg:$0x0]  }
0x2: {  	s4 =	rddreg [dreg:$0x1]  }
0x3: {  	s6 =	rddreg [dreg:$0x2]  }
0x4: {  	s2 =	rddreg [dreg:$0x3]  }
0x5: {  	s0 =	rddreg [dreg:$0x4]  }
0x6: {  	s1 =	stileid.u32;
	s3 =	simm.s32 $0x0;
	s8 =	srdreg.scid  }
0x7: {  	s17 =	simm.s32 $0x4;
	s18 =	simm.s32 $0x2;
	s19 =	simm.s32 $0x200  }
0x8: {  	s20 =	simm.s32 $0x600;
	s21 =	simm.s32 $0x400;
	s22 =	simm.s32 $0x800  }
0x9: {  	s23 =	simm.s32 $0x1;
	s28 =	simm.s32 $0x3;
	s29 =	simm.s32 $0x880  }
0xa: {  	s30 =	simm.s32 $0x900;
	s31 =	simm.s32 $0x980;
	s5 =	smul.u32 $0x3100, s1  }
0xb: {  	[smem:$0x7FF] =	sst s3;
	s8 =	sand.u32 $0x1, s8;
	s11 =	sshll.u32 s1, $0x1  }
0xc: {  	s25 =	sshll.u32 s1, $0x6;
	_ =	strace $0x80000047;
	s10 =	ssub.s32 $0x2, s8  }
0xd: {  	s8 =	sor.u32 s8, s11;
	s9 =	sshrl.u32 s5, $0x3;
	s24 =	sshrl.u32 s10, $0x1  }
0xe: {  	s16 =	sadd.s32 s5, s2;
	s26 =	sshll.u32 s8, $0x7;
	s5 =	sor.u32 $0x1C02, s25  }
0xf: {  	s8 =	sshll.u32 s8, $0x6;
	s25 =	simm.s32 $0x700;
	s4 =	sadd.s32 s9, s4  }
0x10: {  	s15 =	ssub.s32 s10, s24;
	s6 =	sadd.s32 s6, s26;
	s7 =	sadd.s32 s7, s8  }
0x11: {  	s16 =	sshrl.u32 s16, $0x3;
	s24 =	simm.s32 $0x680;
	s26 =	simm.s32 $0x780  }
0x12: {  	s4 =	sadd.s32 $0x400, s4;
	s8 =	sadd.s32 $0x20, s6;
	s9 =	sadd.s32 $0x40, s6  }
0x13: {  	s10 =	sadd.s32 $0x60, s6;
	s11 =	sadd.s32 $0x10, s6;
	s12 =	sadd.s32 $0x30, s6  }
0x14: {  	s13 =	sadd.s32 $0x50, s6;
	s14 =	sadd.s32 $0x70, s6;
	s15 =	smax.u32 s15, $0x1  }
.LBB2_1:
0x15: {  	[spmem:s16], [sflag:s5] =	dma.local [hbm:s4], $0x620  }
0x16: {  	[tilespmem:s3], [sflag:$0x4] =	stream.linear.gather [hbm4b:s7+s3], $0x200, $0x38;
	[tilespmem:$0x3B00] =	vst v63  }
0x17: {  	_ =	swait.ge [sflag:s17], $0x200  }
0x18: {  	[sflag:s17] =	ssyncset.done $0x0  }
0x19: {  	[sflag:s17] =	ssyncadd.s32 $0xFFFFFE00  }
0x1a: {  	v0 =	vld [tilespmem:$0x0];
	_ =	sdelay $0x1  }
0x1b: {  	v1 =	vld [tilespmem:$0x10];
	_ =	sdelay $0x1  }
0x1c: {  	v2 =	vld [tilespmem:$0x20]  }
0x1d: {  	v3 =	vshll.u32 v0, $0x1  }
0x1e: {  	v4 =	vld [tilespmem:$0x30];
	v0 =	vand.u32 $0x7F, v0;
	v3 =	vand.u32 $0xFFFFFF00, v3  }
0x1f: {  	v60 =	vshll.u32 v1, $0x1;
	v0 =	vor.u32 v0, v3  }
0x20: {  	v5 =	vld [tilespmem:$0x40];
	v1 =	vand.u32 $0x7F, v1;
	v3 =	vand.u32 $0xFFFFFF00, v60;
	[tilespmem:$0x200] =	vst v0;
	v0 =	vor.u32 $0x80, v0  }
0x21: {  	v62 =	vshll.u32 v2, $0x1;
	v61 =	vor.u32 v1, v3;
	[tilespmem:$0x400] =	vst v0  }
0x22: {  	v63 =	vld [tilespmem:$0x50];
	v2 =	vand.u32 $0x7F, v2;
	v1 =	vand.u32 $0xFFFFFF00, v62;
	[tilespmem:$0x210] =	vst v61;
	v0 =	vor.u32 $0x80, v61  }
0x23: {  	v9 =	vshll.u32 v4, $0x1;
	v8 =	vor.u32 v2, v1;
	[tilespmem:$0x410] =	vst v0  }
0x24: {  	v11 =	vld [tilespmem:$0x60];
	v10 =	vand.u32 $0x7F, v4;
	v1 =	vand.u32 $0xFFFFFF00, v9;
	[tilespmem:$0x220] =	vst v8;
	v0 =	vor.u32 $0x80, v8  }
0x25: {  	v13 =	vshll.u32 v5, $0x1;
	v12 =	vor.u32 v10, v1;
	[tilespmem:$0x420] =	vst v0  }
0x26: {  	v15 =	vld [tilespmem:$0x70];
	v14 =	vand.u32 $0x7F, v5;
	v1 =	vand.u32 $0xFFFFFF00, v13;
	[tilespmem:$0x230] =	vst v12;
	v0 =	vor.u32 $0x80, v12  }
0x27: {  	v17 =	vshll.u32 v63, $0x1;
	v16 =	vor.u32 v14, v1;
	[tilespmem:$0x430] =	vst v0  }
0x28: {  	v19 =	vld [tilespmem:$0x80];
	v18 =	vand.u32 $0x7F, v63;
	v1 =	vand.u32 $0xFFFFFF00, v17;
	[tilespmem:$0x240] =	vst v16;
	v0 =	vor.u32 $0x80, v16  }
0x29: {  	v21 =	vshll.u32 v11, $0x1;
	v20 =	vor.u32 v18, v1;
	[tilespmem:$0x440] =	vst v0  }
0x2a: {  	v23 =	vld [tilespmem:$0x90];
	v22 =	vand.u32 $0x7F, v11;
	v1 =	vand.u32 $0xFFFFFF00, v21;
	[tilespmem:$0x250] =	vst v20;
	v0 =	vor.u32 $0x80, v20  }
0x2b: {  	v25 =	vshll.u32 v15, $0x1;
	v24 =	vor.u32 v22, v1;
	[tilespmem:$0x450] =	vst v0  }
0x2c: {  	v27 =	vld [tilespmem:$0xA0];
	v26 =	vand.u32 $0x7F, v15;
	v1 =	vand.u32 $0xFFFFFF00, v25;
	[tilespmem:$0x260] =	vst v24;
	v0 =	vor.u32 $0x80, v24  }
0x2d: {  	v29 =	vshll.u32 v19, $0x1;
	v28 =	vor.u32 v26, v1;
	[tilespmem:$0x460] =	vst v0  }
0x2e: {  	v31 =	vld [tilespmem:$0xB0];
	v30 =	vand.u32 $0x7F, v19;
	v1 =	vand.u32 $0xFFFFFF00, v29;
	[tilespmem:$0x270] =	vst v28;
	v0 =	vor.u32 $0x80, v28  }
0x2f: {  	v33 =	vshll.u32 v23, $0x1;
	v32 =	vor.u32 v30, v1;
	[tilespmem:$0x470] =	vst v0  }
0x30: {  	v35 =	vld [tilespmem:$0xC0];
	v34 =	vand.u32 $0x7F, v23;
	v1 =	vand.u32 $0xFFFFFF00, v33;
	[tilespmem:$0x280] =	vst v32;
	v0 =	vor.u32 $0x80, v32  }
0x31: {  	v37 =	vshll.u32 v27, $0x1;
	v36 =	vor.u32 v34, v1;
	[tilespmem:$0x480] =	vst v0  }
0x32: {  	v39 =	vld [tilespmem:$0xD0];
	v38 =	vand.u32 $0x7F, v27;
	v1 =	vand.u32 $0xFFFFFF00, v37;
	[tilespmem:$0x290] =	vst v36;
	v0 =	vor.u32 $0x80, v36  }
0x33: {  	v41 =	vshll.u32 v31, $0x1;
	v40 =	vor.u32 v38, v1;
	[tilespmem:$0x490] =	vst v0  }
0x34: {  	v43 =	vld [tilespmem:$0xE0];
	v42 =	vand.u32 $0x7F, v31;
	v1 =	vand.u32 $0xFFFFFF00, v41;
	[tilespmem:$0x2A0] =	vst v40;
	v0 =	vor.u32 $0x80, v40  }
0x35: {  	v45 =	vshll.u32 v35, $0x1;
	v44 =	vor.u32 v42, v1;
	[tilespmem:$0x4A0] =	vst v0  }
0x36: {  	v47 =	vld [tilespmem:$0xF0];
	v46 =	vand.u32 $0x7F, v35;
	v1 =	vand.u32 $0xFFFFFF00, v45;
	[tilespmem:$0x2B0] =	vst v44;
	v0 =	vor.u32 $0x80, v44  }
0x37: {  	v49 =	vshll.u32 v39, $0x1;
	v48 =	vor.u32 v46, v1;
	[tilespmem:$0x4B0] =	vst v0  }
0x38: {  	v51 =	vld [tilespmem:$0x100];
	v50 =	vand.u32 $0x7F, v39;
	v1 =	vand.u32 $0xFFFFFF00, v49;
	[tilespmem:$0x2C0] =	vst v48;
	v0 =	vor.u32 $0x80, v48  }
0x39: {  	v53 =	vshll.u32 v43, $0x1;
	v52 =	vor.u32 v50, v1;
	[tilespmem:$0x4C0] =	vst v0  }
0x3a: {  	v55 =	vld [tilespmem:$0x110];
	v54 =	vand.u32 $0x7F, v43;
	v1 =	vand.u32 $0xFFFFFF00, v53;
	[tilespmem:$0x2D0] =	vst v52;
	v0 =	vor.u32 $0x80, v52  }
0x3b: {  	v57 =	vshll.u32 v47, $0x1;
	v56 =	vor.u32 v54, v1;
	[tilespmem:$0x4D0] =	vst v0  }
0x3c: {  	v59 =	vld [tilespmem:$0x120];
	v58 =	vand.u32 $0x7F, v47;
	v1 =	vand.u32 $0xFFFFFF00, v57;
	[tilespmem:$0x2E0] =	vst v56;
	v0 =	vor.u32 $0x80, v56  }
0x3d: {  	v61 =	vshll.u32 v51, $0x1;
	v60 =	vor.u32 v58, v1;
	[tilespmem:$0x4E0] =	vst v0  }
0x3e: {  	v63 =	vld [tilespmem:$0x130];
	v62 =	vand.u32 $0x7F, v51;
	v1 =	vand.u32 $0xFFFFFF00, v61;
	[tilespmem:$0x2F0] =	vst v60;
	v0 =	vor.u32 $0x80, v60  }
0x3f: {  	v7 =	vshll.u32 v55, $0x1;
	v6 =	vor.u32 v62, v1;
	[tilespmem:$0x4F0] =	vst v0  }
0x40: {  	v9 =	vld [tilespmem:$0x140];
	v8 =	vand.u32 $0x7F, v55;
	v1 =	vand.u32 $0xFFFFFF00, v7;
	[tilespmem:$0x300] =	vst v6;
	v0 =	vor.u32 $0x80, v6  }
0x41: {  	v11 =	vshll.u32 v59, $0x1;
	v10 =	vor.u32 v8, v1;
	[tilespmem:$0x500] =	vst v0  }
0x42: {  	v13 =	vld [tilespmem:$0x150];
	v12 =	vand.u32 $0x7F, v59;
	v1 =	vand.u32 $0xFFFFFF00, v11;
	[tilespmem:$0x310] =	vst v10;
	v0 =	vor.u32 $0x80, v10  }
0x43: {  	v15 =	vshll.u32 v63, $0x1;
	v14 =	vor.u32 v12, v1;
	[tilespmem:$0x510] =	vst v0  }
0x44: {  	v17 =	vld [tilespmem:$0x160];
	v16 =	vand.u32 $0x7F, v63;
	v1 =	vand.u32 $0xFFFFFF00, v15;
	[tilespmem:$0x320] =	vst v14;
	v0 =	vor.u32 $0x80, v14  }
0x45: {  	v19 =	vshll.u32 v9, $0x1;
	v18 =	vor.u32 v16, v1;
	[tilespmem:$0x520] =	vst v0  }
0x46: {  	v21 =	vld [tilespmem:$0x170];
	v20 =	vand.u32 $0x7F, v9;
	v1 =	vand.u32 $0xFFFFFF00, v19;
	[tilespmem:$0x330] =	vst v18;
	v0 =	vor.u32 $0x80, v18  }
0x47: {  	v23 =	vshll.u32 v13, $0x1;
	v22 =	vor.u32 v20, v1;
	[tilespmem:$0x530] =	vst v0  }
0x48: {  	v25 =	vld [tilespmem:$0x180];
	v24 =	vand.u32 $0x7F, v13;
	v1 =	vand.u32 $0xFFFFFF00, v23;
	[tilespmem:$0x340] =	vst v22;
	v0 =	vor.u32 $0x80, v22  }
0x49: {  	v27 =	vshll.u32 v17, $0x1;
	v26 =	vor.u32 v24, v1;
	[tilespmem:$0x540] =	vst v0  }
0x4a: {  	v29 =	vld [tilespmem:$0x190];
	v28 =	vand.u32 $0x7F, v17;
	v1 =	vand.u32 $0xFFFFFF00, v27;
	[tilespmem:$0x350] =	vst v26;
	v0 =	vor.u32 $0x80, v26  }
0x4b: {  	v31 =	vshll.u32 v21, $0x1;
	v30 =	vor.u32 v28, v1;
	[tilespmem:$0x550] =	vst v0  }
0x4c: {  	v33 =	vld [tilespmem:$0x1A0];
	v32 =	vand.u32 $0x7F, v21;
	v1 =	vand.u32 $0xFFFFFF00, v31;
	[tilespmem:$0x360] =	vst v30;
	v0 =	vor.u32 $0x80, v30  }
0x4d: {  	v35 =	vshll.u32 v25, $0x1;
	v34 =	vor.u32 v32, v1;
	[tilespmem:$0x560] =	vst v0  }
0x4e: {  	v37 =	vld [tilespmem:$0x1B0];
	v36 =	vand.u32 $0x7F, v25;
	v1 =	vand.u32 $0xFFFFFF00, v35;
	[tilespmem:$0x370] =	vst v34;
	v0 =	vor.u32 $0x80, v34  }
0x4f: {  	v39 =	vshll.u32 v29, $0x1;
	v38 =	vor.u32 v36, v1;
	[tilespmem:$0x570] =	vst v0  }
0x50: {  	v41 =	vld [tilespmem:$0x1C0];
	v40 =	vand.u32 $0x7F, v29;
	v1 =	vand.u32 $0xFFFFFF00, v39;
	[tilespmem:$0x380] =	vst v38;
	v0 =	vor.u32 $0x80, v38  }
0x51: {  	v43 =	vshll.u32 v33, $0x1;
	v42 =	vor.u32 v40, v1;
	[tilespmem:$0x580] =	vst v0  }
0x52: {  	v45 =	vld [tilespmem:$0x1D0];
	v44 =	vand.u32 $0x7F, v33;
	v1 =	vand.u32 $0xFFFFFF00, v43;
	[tilespmem:$0x390] =	vst v42;
	v0 =	vor.u32 $0x80, v42  }
0x53: {  	v47 =	vshll.u32 v37, $0x1;
	v46 =	vor.u32 v44, v1;
	[tilespmem:$0x590] =	vst v0  }
0x54: {  	v49 =	vld [tilespmem:$0x1E0];
	v48 =	vand.u32 $0x7F, v37;
	v1 =	vand.u32 $0xFFFFFF00, v47;
	[tilespmem:$0x3A0] =	vst v46;
	v0 =	vor.u32 $0x80, v46  }
0x55: {  	v51 =	vshll.u32 v41, $0x1;
	v50 =	vor.u32 v48, v1;
	[tilespmem:$0x5A0] =	vst v0  }
0x56: {  	v53 =	vld [tilespmem:$0x1F0];
	v52 =	vand.u32 $0x7F, v41;
	v1 =	vand.u32 $0xFFFFFF00, v51;
	[tilespmem:$0x3B0] =	vst v50;
	v0 =	vor.u32 $0x80, v50  }
0x57: {  	v55 =	vshll.u32 v45, $0x1;
	v54 =	vor.u32 v52, v1;
	[tilespmem:$0x5B0] =	vst v0  }
0x58: {  	v56 =	vand.u32 $0x7F, v45;
	v1 =	vand.u32 $0xFFFFFF00, v55;
	[tilespmem:$0x3C0] =	vst v54;
	v0 =	vor.u32 $0x80, v54  }
0x59: {  	v58 =	vshll.u32 v49, $0x1;
	v57 =	vor.u32 v56, v1;
	[tilespmem:$0x5C0] =	vst v0  }
0x5a: {  	v59 =	vand.u32 $0x7F, v49;
	v1 =	vand.u32 $0xFFFFFF00, v58;
	[tilespmem:$0x3D0] =	vst v57;
	v0 =	vor.u32 $0x80, v57  }
0x5b: {  	v61 =	vshll.u32 v53, $0x1;
	v60 =	vor.u32 v59, v1;
	[tilespmem:$0x5D0] =	vst v0  }
0x5c: {  	v62 =	vand.u32 $0x7F, v53;
	v1 =	vand.u32 $0xFFFFFF00, v61;
	[tilespmem:$0x3E0] =	vst v60;
	v0 =	vor.u32 $0x80, v60  }
0x5d: {  	v63 =	vor.u32 v62, v1;
	[tilespmem:$0x5E0] =	vst v0  }
0x5e: {  	[tilespmem:$0x3F0] =	vst v63;
	v0 =	vor.u32 $0x80, v63  }
0x5f: {  	[tilespmem:$0x5F0] =	vst v0  }
0x60: {  	_ =	swait.ge [sflag:s18], $0x620  }
0x61: {  	[sflag:s18] =	ssyncset.done $0x0  }
0x62: {  	[sflag:s18] =	ssyncadd.s32 $0xFFFFF9E0  }
0x63: {  	[bflag:$0x0] =	sbarrier.arrive $0xFFFF  }
0x64: {  	[tilespmem:s20], [sflag:$0x1] =	stream.indirect.gather [spmem:s2], $0x1, s19, s19, $0xb8;
	[tilespmem:$0x3B00] =	vst v63  }
0x65: {  	_ = 	snop  }
0x66: {  	[tilespmem:s22], [sflag:$0x3] =	stream.indirect.gather [spmem:s2], $0x1, s21, s19, $0xb8;
	[tilespmem:$0x3B00] =	vst v63  }
0x67: {  	_ =	swait.ge [sflag:s23], $0x200  }
0x68: {  	[sflag:s23] =	ssyncset.done $0x0  }
0x69: {  	[sflag:s23] =	ssyncadd.s32 $0xFFFFFE00  }
0x6a: {  	[hbm4b:s6+s3] =	stream.linear.scatter [tilespmem:s20], [sflag:$0x1], $0x80, $0x38;
	[tilespmem:$0x3B00] =	vst v63  }
0x6b: {  	_ = 	snop  }
0x6c: {  	[hbm4b:s8+s3] =	stream.linear.scatter [tilespmem:s24], [sflag:$0x1], $0x80, $0x38;
	[tilespmem:$0x3B00] =	vst v63  }
0x6d: {  	_ = 	snop  }
0x6e: {  	[hbm4b:s9+s3] =	stream.linear.scatter [tilespmem:s25], [sflag:$0x1], $0x80, $0x38;
	[tilespmem:$0x3B00] =	vst v63  }
0x6f: {  	_ = 	snop  }
0x70: {  	[hbm4b:s10+s3] =	stream.linear.scatter [tilespmem:s26], [sflag:$0x1], $0x80, $0x38;
	[tilespmem:$0x3B00] =	vst v63  }
0x71: {  	_ =	swait.ge [sflag:s28], $0x200  }
0x72: {  	[sflag:s28] =	ssyncset.done $0x0  }
0x73: {  	[sflag:s28] =	ssyncadd.s32 $0xFFFFFE00  }
0x74: {  	[hbm4b:s11+s3] =	stream.linear.scatter [tilespmem:s22], [sflag:$0x3], $0x80, $0x38;
	[tilespmem:$0x3B00] =	vst v63  }
0x75: {  	_ = 	snop  }
0x76: {  	[hbm4b:s12+s3] =	stream.linear.scatter [tilespmem:s29], [sflag:$0x3], $0x80, $0x38;
	[tilespmem:$0x3B00] =	vst v63  }
0x77: {  	_ = 	snop  }
0x78: {  	[hbm4b:s13+s3] =	stream.linear.scatter [tilespmem:s30], [sflag:$0x3], $0x80, $0x38;
	[tilespmem:$0x3B00] =	vst v63  }
0x79: {  	_ = 	snop  }
0x7a: {  	[hbm4b:s14+s3] =	stream.linear.scatter [tilespmem:s31], [sflag:$0x3], $0x80, $0x38;
	[tilespmem:$0x3B00] =	vst v63  }
0x7b: {  	_ =	swait.ge [sflag:s23], $0x80  }
0x7c: {  	[sflag:s23] =	ssyncset.done $0x0  }
0x7d: {  	[sflag:s23] =	ssyncadd.s32 $0xFFFFFF80  }
0x7e: {  	_ =	swait.ge [sflag:s23], $0x80  }
0x7f: {  	[sflag:s23] =	ssyncset.done $0x0  }
0x80: {  	[sflag:s23] =	ssyncadd.s32 $0xFFFFFF80  }
0x81: {  	_ =	swait.ge [sflag:s23], $0x80  }
0x82: {  	[sflag:s23] =	ssyncset.done $0x0  }
0x83: {  	[sflag:s23] =	ssyncadd.s32 $0xFFFFFF80  }
0x84: {  	_ =	swait.ge [sflag:s23], $0x80  }
0x85: {  	[sflag:s23] =	ssyncset.done $0x0  }
0x86: {  	[sflag:s23] =	ssyncadd.s32 $0xFFFFFF80  }
0x87: {  	_ =	swait.ge [sflag:s28], $0x80  }
0x88: {  	[sflag:s28] =	ssyncset.done $0x0  }
0x89: {  	[sflag:s28] =	ssyncadd.s32 $0xFFFFFF80  }
0x8a: {  	_ =	swait.ge [sflag:s28], $0x80  }
0x8b: {  	[sflag:s28] =	ssyncset.done $0x0  }
0x8c: {  	[sflag:s28] =	ssyncadd.s32 $0xFFFFFF80  }
0x8d: {  	p0 =	sne.s32 s15, $0x1;
	_ =	swait.ge [sflag:s28], $0x80  }
.Ltmp0:
0x8e: {  	[sflag:s28] =	ssyncset.done $0x0;
	(pc) =	sbr.rel @p0 .LBB2_1-.Ltmp0, $4  }
0x8f: {  	[sflag:s28] =	ssyncadd.s32 $0xFFFFFF80  }
0x90: {  	_ =	swait.ge [sflag:s28], $0x80  }
0x91: {  	[sflag:s28] =	ssyncset.done $0x0  }
0x92: {  	s15 =	sadd.s32 $0xFFFFFFFF, s15;
	[sflag:s28] =	ssyncadd.s32 $0xFFFFFF80  }
0x93: {  	_ =	sfence.sel $0x180000  }
0x94: {  	[bflag:$0x0] =	sbarrier.arrive $0xFFFF  }
0x95: {  	p0 =	sne.s32 s1, $0x0;
	_ =	strace $0x90000047  }
0x96: {  	s0 =	sadd.s32 @!p0 $0x100000, s0;
	[bflag:$0x2] =	sbarrier.arrive $0xFFFF  }
0x97: {  	[sflag:s0] =	ssyncadd.tile.s32 @!p0 $0x1;
	_ =	shalt  }
.Lfunc_end2:
_tile_overlayer_lowered:
.L_overlay_start_2:
0x98: {  	(tag) =	ssettag $0x2  }
0x99: {  	s0 =	rddreg [dreg:$0x0];
	s2 =	stileid.u32  }
0x9a: {  	s1 =	rddreg [dreg:$0x1];
	p0 =	sne.s32 s2, $0x0  }
0x9b: {  	s3 =	rddreg [dreg:$0x2];
	[bflag:$0x3] =	sbarrier.arrive $0xFFFF;
	s2 =	simm.s32 @!p0 $0x1C04  }
0x9c: {  	[timem:s3], [sflag:s2] =	dma.local @!p0 [hbm:s0], s1  }
0x9d: {  	s0 =	simm.s32 @!p0 $0x4  }
0x9e: {  	_ =	swait.ge @!p0 [sflag:s0], s1  }
0x9f: {  	s1 =	ssub.s32 @!p0 $0x0, s1;
	[sflag:s0] =	ssyncset.done @!p0 $0x0  }
0xa0: {  	[sflag:s0] =	ssyncadd.s32 @!p0 s1  }
0xa1: {  	[bflag:$0x3] =	sbarrier.arrive $0xFFFF  }
0xa2: {  	_ =	shalt  }

</sc_bundles>
